<compile_context>
chip_gen: v7x
topology: tpu7x:2x2x1
jax: 0.10.2.dev20260603
libtpu: 0.0.44.dev20260713+nightly
codegen_flags: <defaults>
</compile_context>

<pallas_src>
import functools

import numpy as np

import jax
import jax.numpy as jnp
from jax import lax
from jax.experimental import pallas as pl
from jax.experimental.pallas import tpu as pltpu
from jax.experimental.pallas import tpu_sc as plsc

_VOCAB = 42
_VPAD = 48
_D = 128
_L = 200
_B = 1024
_NC, _NS = 2, 16
_NW = _NC * _NS
_ROWS = _B * _L
_RPW = _ROWS // _NW
_K = 128
_NCHUNK = _RPW // _K
_NB = 2
_E = 4


def _pos_encoding_np(max_seq, d_model):
    even_i = np.arange(0, d_model, 2, dtype=np.float32)
    denominator = np.power(np.float32(10000.0), even_i / np.float32(d_model))
    position = np.arange(max_seq, dtype=np.float32).reshape(max_seq, 1)
    even_pe = np.sin(position / denominator, dtype=np.float32)
    odd_pe = np.cos(position / denominator, dtype=np.float32)
    stacked = np.stack([even_pe, odd_pe], axis=2)
    return stacked.reshape(max_seq, d_model).astype(np.float32)


_PE = _pos_encoding_np(_L, _D)


def _combine_body(pe_ref, tab_ref, c_ref):
    pe = pe_ref[...]
    tab = tab_ref[...]
    c_ref[...] = pe[:, None, :] + tab[None, :, :]


def _build_combined(pe, tab):
    c = pl.pallas_call(
        _combine_body,
        grid=(1,),
        in_specs=[
            pl.BlockSpec((_L, _D), lambda i: (0, 0)),
            pl.BlockSpec((_VPAD, _D), lambda i: (0, 0)),
        ],
        out_specs=pl.BlockSpec((_L, _VPAD, _D), lambda i: (0, 0, 0)),
        out_shape=jax.ShapeDtypeStruct((_L, _VPAD, _D), jnp.float32),
    )(pe, tab)
    return c.reshape(_L * _VPAD, _D)


@functools.partial(
    pl.kernel,
    out_type=jax.ShapeDtypeStruct((_ROWS, _D), jnp.float32),
    mesh=plsc.VectorSubcoreMesh(
        core_axis_name="c", subcore_axis_name="s",
        num_cores=_NC, num_subcores=_NS),
    scratch_types=[
        pltpu.VMEM((_RPW,), jnp.int32),
        pltpu.VMEM((_NB, 1, 128), jnp.int32),
        pltpu.VMEM((_NB, _K, _D), jnp.float32),
        pltpu.VMEM_SHARED((_L * _VPAD, _D), jnp.float32),
        pltpu.SemaphoreType.DMA,
        pltpu.SemaphoreType.DMA,
        pltpu.SemaphoreType.DMA,
        pltpu.SemaphoreType.DMA,
        pltpu.SemaphoreType.DMA,
    ],
)
def _sc_gather(tok_hbm, c_hbm, out_hbm, tok_v, idx_v, rows_v, c_sp,
               g0, g1, s0, s1, st):
    wid = lax.axis_index("s") * _NC + lax.axis_index("c")
    wbase = wid * _RPW
    g_sem = (g0, g1)
    s_sem = (s0, s1)

    sid = lax.axis_index("s")
    tok_cp = pltpu.make_async_copy(
        tok_hbm.at[pl.ds(wbase, _RPW)], tok_v, g_sem[0])
    tok_cp.start()

    rows_per_sub = (_L * _VPAD) // _NS
    stage_cp = pltpu.make_async_copy(
        c_hbm.at[pl.ds(sid * rows_per_sub, rows_per_sub)],
        c_sp.at[pl.ds(sid * rows_per_sub, rows_per_sub)], st)
    stage_cp.start()
    tok_cp.wait()

    def _gather_hbm_desc(i, b):
        return pltpu.make_async_copy(
            c_hbm.at[idx_v.at[b].at[0]], rows_v.at[b], g_sem[b])

    def _gather_desc(i, b):
        return pltpu.make_async_copy(
            c_sp.at[idx_v.at[b].at[0]], rows_v.at[b], g_sem[b])

    def _scatter_desc(i, b):
        return pltpu.make_async_copy(
            rows_v.at[b], out_hbm.at[pl.ds(wbase + i * _K, _K)], s_sem[b])

    def step(i, carry):
        def stage(b):
            @pl.when(jnp.logical_and(i >= _NB, i < _NCHUNK))
            def _():
                _scatter_desc(i - _NB, b).wait()

            @pl.when(i == _E)
            def _():
                stage_cp.wait()
                plsc.subcore_barrier()

            @pl.when(i < _NCHUNK)
            def _():
                for j in range(8):
                    o = i * _K + j * 16
                    pos = wbase + o + lax.iota(jnp.int32, 16)
                    l = lax.rem(pos, _L)
                    idx_v[b, 0, pl.ds(j * 16, 16)] = (
                        l * _VPAD + tok_v[pl.ds(o, 16)])

                @pl.when(i < _E)
                def _():
                    _gather_hbm_desc(i, b).start()

                @pl.when(i >= _E)
                def _():
                    _gather_desc(i, b).start()

            @pl.when(i >= 1)
            def _():
                bp = (b + _NB - 1) % _NB
                _gather_desc(i - 1, bp).wait()
                _scatter_desc(i - 1, bp).start()

        for bb in range(_NB):
            @pl.when(lax.rem(i, _NB) == bb)
            def _(bb=bb):
                stage(bb)

        return carry

    lax.fori_loop(0, _NCHUNK + 1, step, 0)
    for i in range(_NCHUNK - _NB, _NCHUNK):
        _scatter_desc(i, i % _NB).wait()


def kernel(tokens, embedding_table):
    pe = jnp.asarray(_PE)
    c = _build_combined(pe, embedding_table)
    out = _sc_gather(tokens.reshape(_ROWS), c)
    return out.reshape(_B, _L, _D)

# --- scband reference (transcript-rebuilt; emitter-appended) ---
"""Pipeline reference for scband-sentence-embedding-15187004359262 (READ-ONLY COPY).

The authoritative reference and input builder live on the scoring server;
editing this copy changes nothing except your own understanding.
"""

import jax, jax.numpy as jnp
import numpy as np

VOCAB = 42
D_MODEL = 128
MAX_SEQ = 200
BATCH = 1024


def positional_encoding(max_seq, d_model):
    even_i = jnp.arange(0, d_model, 2).astype(jnp.float32)
    denominator = jnp.power(10000.0, even_i / float(d_model))
    position = jnp.arange(max_seq).reshape(max_seq, 1).astype(jnp.float32)
    even_PE = jnp.sin(position / denominator)
    odd_PE = jnp.cos(position / denominator)
    stacked = jnp.stack([even_PE, odd_PE], axis=2)
    PE = stacked.reshape(max_seq, d_model)
    return PE


def setup_inputs(seed: int = 0) -> dict:
    key = jax.random.key(seed)
    k1, k2 = jax.random.split(key)
    tokens = jax.random.randint(k1, (BATCH, MAX_SEQ), 0, VOCAB, dtype=jnp.int32)
    embedding_table = jax.random.normal(k2, (VOCAB, D_MODEL), dtype=jnp.float32)
    return {"tokens": tokens, "embedding_table": embedding_table}


def reference(tokens, embedding_table):
    # embedding lookup (gather): maps to SparseCore
    x = jnp.take(embedding_table, tokens, axis=0)  # [B, L, d_model]
    # positional encoding added (broadcast over batch)
    pe = positional_encoding(tokens.shape[1], embedding_table.shape[1])
    x = x + pe[None, :, :]
    # dropout: module references self.dropout which is never defined in __init__;
    # treated as identity (eval-mode semantics)
    return x

if __name__ == "__main__":
    import jax
    _d = setup_inputs()
    print(jax.jit(kernel)(*tuple(_d.values())))

</pallas_src>

<mosaic_0001>
#map = affine_map<(d0, d1) -> (0)>
#map1 = affine_map<(d0, d1) -> (0, 0)>
module attributes {stable_mosaic.version = 14 : i64} {
  func.func @_sc_gather(%arg0: i32, %arg1: i32, %arg2: memref<204800xi32, #tpu.memory_space<hbm>>, %arg3: memref<9600x128xf32, #tpu.memory_space<hbm>>, %arg4: memref<204800x128xf32, #tpu.memory_space<hbm>>, %arg5: memref<6400xi32, #tpu.memory_space<vmem>>, %arg6: memref<2x1x128xi32, #tpu.memory_space<vmem>>, %arg7: memref<2x128x128xf32, #tpu.memory_space<vmem>>, %arg8: memref<9600x128xf32, #tpu.memory_space<vmem_shared>>, %arg9: memref<!tpu.dma_semaphore, #tpu.memory_space<semaphore_mem>>, %arg10: memref<!tpu.dma_semaphore, #tpu.memory_space<semaphore_mem>>, %arg11: memref<!tpu.dma_semaphore, #tpu.memory_space<semaphore_mem>>, %arg12: memref<!tpu.dma_semaphore, #tpu.memory_space<semaphore_mem>>, %arg13: memref<!tpu.dma_semaphore, #tpu.memory_space<semaphore_mem>>) attributes {dimension_semantics = [#tpu.dimension_semantics<core_parallel>, #tpu.dimension_semantics<subcore_parallel>], iteration_bounds = array<i64: 2, 16>, scalar_prefetch = 0 : i64, scratch_operands = 9 : i64, tpu.core_type = #tpu.core_type<sc_vector_subcore>, window_params = [{transform_indices = #map}, {transform_indices = #map1}, {transform_indices = #map1}]} {
    %mul3A = arith.constant 2 : i32
    %mul3A_0 = arith.muli %arg1, %mul3A : i32
    %add3A = arith.addi %mul3A_0, %arg0 : i32
    %mul3A_1 = arith.constant 6400 : i32
    %mul3A_2 = arith.muli %add3A, %mul3A_1 : i32
    %dma_start3A = tpu.memref_slice %arg2[%mul3A_2] : memref<204800xi32, #tpu.memory_space<hbm>> -> memref<6400xi32, #tpu.memory_space<hbm>>
    %dma_start3A_3 = tpu.memref_slice %arg2[%mul3A_2] : memref<204800xi32, #tpu.memory_space<hbm>> -> memref<6400xi32, #tpu.memory_space<hbm>>
    tpu.enqueue_dma source(%dma_start3A_3 : memref<6400xi32, #tpu.memory_space<hbm>>) target(%arg5 : memref<6400xi32, #tpu.memory_space<vmem>>) target_semaphore(%arg9 : memref<!tpu.dma_semaphore, #tpu.memory_space<semaphore_mem>>)
    %mul3A_4 = arith.constant 600 : i32
    %mul3A_5 = arith.muli %arg1, %mul3A_4 : i32
    %mul3A_6 = arith.constant 600 : i32
    %mul3A_7 = arith.muli %arg1, %mul3A_6 : i32
    %dma_start3A_8 = arith.constant 0 : i32
    %dma_start3A_9 = tpu.memref_slice %arg8[%mul3A_7, %dma_start3A_8] : memref<9600x128xf32, #tpu.memory_space<vmem_shared>> -> memref<600x128xf32, #tpu.memory_space<vmem_shared>>
    %dma_start3A_10 = arith.constant 0 : i32
    %dma_start3A_11 = tpu.memref_slice %arg3[%mul3A_5, %dma_start3A_10] : memref<9600x128xf32, #tpu.memory_space<hbm>> -> memref<600x128xf32, #tpu.memory_space<hbm>>
    tpu.enqueue_dma source(%dma_start3A_11 : memref<600x128xf32, #tpu.memory_space<hbm>>) target(%dma_start3A_9 : memref<600x128xf32, #tpu.memory_space<vmem_shared>>) target_semaphore(%arg13 : memref<!tpu.dma_semaphore, #tpu.memory_space<semaphore_mem>>)
    %dma_wait3A = tpu.memref_slice %arg2[%mul3A_2] : memref<204800xi32, #tpu.memory_space<hbm>> -> memref<6400xi32, #tpu.memory_space<hbm>>
    %dma_wait3A_12 = tpu.memref_slice %arg2[%mul3A_2] : memref<204800xi32, #tpu.memory_space<hbm>> -> memref<6400xi32, #tpu.memory_space<hbm>>
    tpu.wait_dma2 semaphore(%arg9 : memref<!tpu.dma_semaphore, #tpu.memory_space<semaphore_mem>>) src(%dma_wait3A_12 : memref<6400xi32, #tpu.memory_space<hbm>>) dst(%arg5 : memref<6400xi32, #tpu.memory_space<vmem>>)
    %scan3A = arith.constant 0 : i32
    %scan3A_13 = arith.constant 0 : i32
    %scan3A_14 = arith.constant 51 : i32
    %scan3A_15 = arith.addi %scan3A_13, %scan3A_14 : i32
    %scan3A_16 = arith.constant 1 : i32
    scf.for %scan3A_48 = %scan3A_13 to %scan3A_15 step %scan3A_16  : i32 {
      %rem3A = arith.constant 2 : i32
      %rem3A_49 = arith.remsi %scan3A_48, %rem3A : i32
      %eq3A = arith.constant 0 : i32
      %eq3A_50 = arith.cmpi eq, %rem3A_49, %eq3A : i32
      %convert_element_type3A = arith.extui %eq3A_50 : i1 to i32
      %cond3A = arith.constant 0 : i32
      %cond3A_51 = arith.cmpi ne, %convert_element_type3A, %cond3A : i32
      scf.if %cond3A_51 {
        %ge3A = arith.constant 2 : i32
        %ge3A_59 = arith.cmpi sge, %scan3A_48, %ge3A : i32
        %lt3A = arith.constant 50 : i32
        %lt3A_60 = arith.cmpi slt, %scan3A_48, %lt3A : i32
        %and3A = arith.andi %ge3A_59, %lt3A_60 : i1
        %convert_element_type3A_61 = arith.extui %and3A : i1 to i32
        %cond3A_62 = arith.constant 0 : i32
        %cond3A_63 = arith.cmpi ne, %convert_element_type3A_61, %cond3A_62 : i32
        scf.if %cond3A_63 {
          %sub3A = arith.constant 2 : i32
          %sub3A_79 = arith.subi %scan3A_48, %sub3A : i32
          %mul3A_80 = arith.constant 128 : i32
          %mul3A_81 = arith.muli %sub3A_79, %mul3A_80 : i32
          %add3A_82 = arith.addi %mul3A_2, %mul3A_81 : i32
          %dma_wait3A_83 = arith.constant 0 : i32
          %dma_wait3A_84 = arith.constant 0 : i32
          %dma_wait3A_85 = arith.constant 0 : i32
          %dma_wait3A_86 = tpu.memref_slice %arg7[%dma_wait3A_83, %dma_wait3A_84, %dma_wait3A_85] : memref<2x128x128xf32, #tpu.memory_space<vmem>> -> memref<1x128x128xf32, #tpu.memory_space<vmem>>
          %dma_wait3A_87 = tpu.memref_squeeze %dma_wait3A_86 : memref<1x128x128xf32, #tpu.memory_space<vmem>> -> memref<128x128xf32, #tpu.memory_space<vmem>>
          %dma_wait3A_88 = arith.constant 0 : i32
          %dma_wait3A_89 = tpu.memref_slice %arg4[%add3A_82, %dma_wait3A_88] : memref<204800x128xf32, #tpu.memory_space<hbm>> -> memref<128x128xf32, #tpu.memory_space<hbm>>
          %dma_wait3A_90 = arith.constant 0 : i32
          %dma_wait3A_91 = tpu.memref_slice %arg4[%add3A_82, %dma_wait3A_90] : memref<204800x128xf32, #tpu.memory_space<hbm>> -> memref<128x128xf32, #tpu.memory_space<hbm>>
          %dma_wait3A_92 = arith.constant 0 : i32
          %dma_wait3A_93 = arith.constant 0 : i32
          %dma_wait3A_94 = tpu.memref_slice %arg7[%dma_wait3A_83, %dma_wait3A_92, %dma_wait3A_93] : memref<2x128x128xf32, #tpu.memory_space<vmem>> -> memref<1x128x128xf32, #tpu.memory_space<vmem>>
          %dma_wait3A_95 = tpu.memref_squeeze %dma_wait3A_94 : memref<1x128x128xf32, #tpu.memory_space<vmem>> -> memref<128x128xf32, #tpu.memory_space<vmem>>
          tpu.wait_dma2 semaphore(%arg11 : memref<!tpu.dma_semaphore, #tpu.memory_space<semaphore_mem>>) src(%dma_wait3A_95 : memref<128x128xf32, #tpu.memory_space<vmem>>) dst(%dma_wait3A_91 : memref<128x128xf32, #tpu.memory_space<hbm>>)
        } else {
        }
        %eq3A_64 = arith.constant 4 : i32
        %eq3A_65 = arith.cmpi eq, %scan3A_48, %eq3A_64 : i32
        %convert_element_type3A_66 = arith.extui %eq3A_65 : i1 to i32
        %cond3A_67 = arith.constant 0 : i32
        %cond3A_68 = arith.cmpi ne, %convert_element_type3A_66, %cond3A_67 : i32
        scf.if %cond3A_68 {
          %dma_wait3A_79 = arith.constant 0 : i32
          %dma_wait3A_80 = tpu.memref_slice %arg8[%mul3A_7, %dma_wait3A_79] : memref<9600x128xf32, #tpu.memory_space<vmem_shared>> -> memref<600x128xf32, #tpu.memory_space<vmem_shared>>
          %dma_wait3A_81 = arith.constant 0 : i32
          %dma_wait3A_82 = tpu.memref_slice %arg3[%mul3A_5, %dma_wait3A_81] : memref<9600x128xf32, #tpu.memory_space<hbm>> -> memref<600x128xf32, #tpu.memory_space<hbm>>
          tpu.wait_dma2 semaphore(%arg13 : memref<!tpu.dma_semaphore, #tpu.memory_space<semaphore_mem>>) src(%dma_wait3A_82 : memref<600x128xf32, #tpu.memory_space<hbm>>) dst(%dma_wait3A_80 : memref<600x128xf32, #tpu.memory_space<vmem_shared>>)
          %barrier3A = arith.constant 0 : index
          tpu.barrier barrier_id(%barrier3A)
        } else {
        }
        %lt3A_69 = arith.constant 50 : i32
        %lt3A_70 = arith.cmpi slt, %scan3A_48, %lt3A_69 : i32
        %convert_element_type3A_71 = arith.extui %lt3A_70 : i1 to i32
        %cond3A_72 = arith.constant 0 : i32
        %cond3A_73 = arith.cmpi ne, %convert_element_type3A_71, %cond3A_72 : i32
        scf.if %cond3A_73 {
          %mul3A_79 = arith.constant 128 : i32
          %mul3A_80 = arith.muli %scan3A_48, %mul3A_79 : i32
          %add3A_81 = arith.constant 0 : i32
          %add3A_82 = arith.addi %mul3A_80, %add3A_81 : i32
          %add3A_83 = arith.addi %mul3A_2, %add3A_82 : i32
          %iota3A = tpu.iota {dimensions = array<i32: 0>} : vector<16xi32>
          %add3A_84 = vector.broadcast %add3A_83 : i32 to vector<16xi32>
          %add3A_85 = arith.addi %add3A_84, %iota3A : vector<16xi32>
          %rem3A_86 = arith.constant 200 : i32
          %rem3A_87 = vector.broadcast %rem3A_86 : i32 to vector<16xi32>
          %rem3A_88 = arith.remsi %add3A_85, %rem3A_87 : vector<16xi32>
          %mul3A_89 = arith.constant 48 : i32
          %mul3A_90 = vector.broadcast %mul3A_89 : i32 to vector<16xi32>
          %mul3A_91 = arith.muli %rem3A_88, %mul3A_90 : vector<16xi32>
          %get3A = arith.index_cast %add3A_82 : i32 to index
          %get3A_92 = tpu.vector_load %arg5[%get3A] {strides = array<i32>} : memref<6400xi32, #tpu.memory_space<vmem>>, vector<16xi32>,
          %get3A_93 = vector.shape_cast %get3A_92 : vector<16xi32> to vector<16xi32>
          %add3A_94 = arith.addi %mul3A_91, %get3A_93 : vector<16xi32>
          %swap3A = arith.constant 0 : i32
          %swap3A_95 = arith.constant 0 : i32
          %swap3A_96 = arith.index_cast %swap3A : i32 to index
          %swap3A_97 = arith.index_cast %swap3A_95 : i32 to index
          %swap3A_98 = arith.constant 0 : index
          %swap3A_99 = tpu.vector_load %arg6[%swap3A_96, %swap3A_97, %swap3A_98] {strides = array<i32>} : memref<2x1x128xi32, #tpu.memory_space<vmem>>, vector<1x1x16xi32>,
          %swap3A_100 = vector.shape_cast %swap3A_99 : vector<1x1x16xi32> to vector<16xi32>
          %swap3A_101 = vector.shape_cast %add3A_94 : vector<16xi32> to vector<1x1x16xi32>
          tpu.vector_store %arg6[%swap3A_96, %swap3A_97, %swap3A_98], %swap3A_101 {strides = array<i32>} : memref<2x1x128xi32, #tpu.memory_space<vmem>>, vector<1x1x16xi32>,
          %mul3A_102 = arith.constant 128 : i32
          %mul3A_103 = arith.muli %scan3A_48, %mul3A_102 : i32
          %add3A_104 = arith.constant 16 : i32
          %add3A_105 = arith.addi %mul3A_103, %add3A_104 : i32
          %add3A_106 = arith.addi %mul3A_2, %add3A_105 : i32
          %iota3A_107 = tpu.iota {dimensions = array<i32: 0>} : vector<16xi32>
          %add3A_108 = vector.broadcast %add3A_106 : i32 to vector<16xi32>
          %add3A_109 = arith.addi %add3A_108, %iota3A_107 : vector<16xi32>
          %rem3A_110 = arith.constant 200 : i32
          %rem3A_111 = vector.broadcast %rem3A_110 : i32 to vector<16xi32>
          %rem3A_112 = arith.remsi %add3A_109, %rem3A_111 : vector<16xi32>
          %mul3A_113 = arith.constant 48 : i32
          %mul3A_114 = vector.broadcast %mul3A_113 : i32 to vector<16xi32>
          %mul3A_115 = arith.muli %rem3A_112, %mul3A_114 : vector<16xi32>
          %get3A_116 = arith.index_cast %add3A_105 : i32 to index
          %get3A_117 = tpu.vector_load %arg5[%get3A_116] {strides = array<i32>} : memref<6400xi32, #tpu.memory_space<vmem>>, vector<16xi32>,
          %get3A_118 = vector.shape_cast %get3A_117 : vector<16xi32> to vector<16xi32>
          %add3A_119 = arith.addi %mul3A_115, %get3A_118 : vector<16xi32>
          %swap3A_120 = arith.constant 0 : i32
          %swap3A_121 = arith.constant 0 : i32
          %swap3A_122 = arith.index_cast %swap3A_120 : i32 to index
          %swap3A_123 = arith.index_cast %swap3A_121 : i32 to index
          %swap3A_124 = arith.constant 16 : index
          %swap3A_125 = tpu.vector_load %arg6[%swap3A_122, %swap3A_123, %swap3A_124] {strides = array<i32>} : memref<2x1x128xi32, #tpu.memory_space<vmem>>, vector<1x1x16xi32>,
          %swap3A_126 = vector.shape_cast %swap3A_125 : vector<1x1x16xi32> to vector<16xi32>
          %swap3A_127 = vector.shape_cast %add3A_119 : vector<16xi32> to vector<1x1x16xi32>
          tpu.vector_store %arg6[%swap3A_122, %swap3A_123, %swap3A_124], %swap3A_127 {strides = array<i32>} : memref<2x1x128xi32, #tpu.memory_space<vmem>>, vector<1x1x16xi32>,
          %mul3A_128 = arith.constant 128 : i32
          %mul3A_129 = arith.muli %scan3A_48, %mul3A_128 : i32
          %add3A_130 = arith.constant 32 : i32
          %add3A_131 = arith.addi %mul3A_129, %add3A_130 : i32
          %add3A_132 = arith.addi %mul3A_2, %add3A_131 : i32
          %iota3A_133 = tpu.iota {dimensions = array<i32: 0>} : vector<16xi32>
          %add3A_134 = vector.broadcast %add3A_132 : i32 to vector<16xi32>
          %add3A_135 = arith.addi %add3A_134, %iota3A_133 : vector<16xi32>
          %rem3A_136 = arith.constant 200 : i32
          %rem3A_137 = vector.broadcast %rem3A_136 : i32 to vector<16xi32>
          %rem3A_138 = arith.remsi %add3A_135, %rem3A_137 : vector<16xi32>
          %mul3A_139 = arith.constant 48 : i32
          %mul3A_140 = vector.broadcast %mul3A_139 : i32 to vector<16xi32>
          %mul3A_141 = arith.muli %rem3A_138, %mul3A_140 : vector<16xi32>
          %get3A_142 = arith.index_cast %add3A_131 : i32 to index
          %get3A_143 = tpu.vector_load %arg5[%get3A_142] {strides = array<i32>} : memref<6400xi32, #tpu.memory_space<vmem>>, vector<16xi32>,
          %get3A_144 = vector.shape_cast %get3A_143 : vector<16xi32> to vector<16xi32>
          %add3A_145 = arith.addi %mul3A_141, %get3A_144 : vector<16xi32>
          %swap3A_146 = arith.constant 0 : i32
          %swap3A_147 = arith.constant 0 : i32
          %swap3A_148 = arith.index_cast %swap3A_146 : i32 to index
          %swap3A_149 = arith.index_cast %swap3A_147 : i32 to index
          %swap3A_150 = arith.constant 32 : index
          %swap3A_151 = tpu.vector_load %arg6[%swap3A_148, %swap3A_149, %swap3A_150] {strides = array<i32>} : memref<2x1x128xi32, #tpu.memory_space<vmem>>, vector<1x1x16xi32>,
          %swap3A_152 = vector.shape_cast %swap3A_151 : vector<1x1x16xi32> to vector<16xi32>
          %swap3A_153 = vector.shape_cast %add3A_145 : vector<16xi32> to vector<1x1x16xi32>
          tpu.vector_store %arg6[%swap3A_148, %swap3A_149, %swap3A_150], %swap3A_153 {strides = array<i32>} : memref<2x1x128xi32, #tpu.memory_space<vmem>>, vector<1x1x16xi32>,
          %mul3A_154 = arith.constant 128 : i32
          %mul3A_155 = arith.muli %scan3A_48, %mul3A_154 : i32
          %add3A_156 = arith.constant 48 : i32
          %add3A_157 = arith.addi %mul3A_155, %add3A_156 : i32
          %add3A_158 = arith.addi %mul3A_2, %add3A_157 : i32
          %iota3A_159 = tpu.iota {dimensions = array<i32: 0>} : vector<16xi32>
          %add3A_160 = vector.broadcast %add3A_158 : i32 to vector<16xi32>
          %add3A_161 = arith.addi %add3A_160, %iota3A_159 : vector<16xi32>
          %rem3A_162 = arith.constant 200 : i32
          %rem3A_163 = vector.broadcast %rem3A_162 : i32 to vector<16xi32>
          %rem3A_164 = arith.remsi %add3A_161, %rem3A_163 : vector<16xi32>
          %mul3A_165 = arith.constant 48 : i32
          %mul3A_166 = vector.broadcast %mul3A_165 : i32 to vector<16xi32>
          %mul3A_167 = arith.muli %rem3A_164, %mul3A_166 : vector<16xi32>
          %get3A_168 = arith.index_cast %add3A_157 : i32 to index
          %get3A_169 = tpu.vector_load %arg5[%get3A_168] {strides = array<i32>} : memref<6400xi32, #tpu.memory_space<vmem>>, vector<16xi32>,
          %get3A_170 = vector.shape_cast %get3A_169 : vector<16xi32> to vector<16xi32>
          %add3A_171 = arith.addi %mul3A_167, %get3A_170 : vector<16xi32>
          %swap3A_172 = arith.constant 0 : i32
          %swap3A_173 = arith.constant 0 : i32
          %swap3A_174 = arith.index_cast %swap3A_172 : i32 to index
          %swap3A_175 = arith.index_cast %swap3A_173 : i32 to index
          %swap3A_176 = arith.constant 48 : index
          %swap3A_177 = tpu.vector_load %arg6[%swap3A_174, %swap3A_175, %swap3A_176] {strides = array<i32>} : memref<2x1x128xi32, #tpu.memory_space<vmem>>, vector<1x1x16xi32>,
          %swap3A_178 = vector.shape_cast %swap3A_177 : vector<1x1x16xi32> to vector<16xi32>
          %swap3A_179 = vector.shape_cast %add3A_171 : vector<16xi32> to vector<1x1x16xi32>
          tpu.vector_store %arg6[%swap3A_174, %swap3A_175, %swap3A_176], %swap3A_179 {strides = array<i32>} : memref<2x1x128xi32, #tpu.memory_space<vmem>>, vector<1x1x16xi32>,
          %mul3A_180 = arith.constant 128 : i32
          %mul3A_181 = arith.muli %scan3A_48, %mul3A_180 : i32
          %add3A_182 = arith.constant 64 : i32
          %add3A_183 = arith.addi %mul3A_181, %add3A_182 : i32
          %add3A_184 = arith.addi %mul3A_2, %add3A_183 : i32
          %iota3A_185 = tpu.iota {dimensions = array<i32: 0>} : vector<16xi32>
          %add3A_186 = vector.broadcast %add3A_184 : i32 to vector<16xi32>
          %add3A_187 = arith.addi %add3A_186, %iota3A_185 : vector<16xi32>
          %rem3A_188 = arith.constant 200 : i32
          %rem3A_189 = vector.broadcast %rem3A_188 : i32 to vector<16xi32>
          %rem3A_190 = arith.remsi %add3A_187, %rem3A_189 : vector<16xi32>
          %mul3A_191 = arith.constant 48 : i32
          %mul3A_192 = vector.broadcast %mul3A_191 : i32 to vector<16xi32>
          %mul3A_193 = arith.muli %rem3A_190, %mul3A_192 : vector<16xi32>
          %get3A_194 = arith.index_cast %add3A_183 : i32 to index
          %get3A_195 = tpu.vector_load %arg5[%get3A_194] {strides = array<i32>} : memref<6400xi32, #tpu.memory_space<vmem>>, vector<16xi32>,
          %get3A_196 = vector.shape_cast %get3A_195 : vector<16xi32> to vector<16xi32>
          %add3A_197 = arith.addi %mul3A_193, %get3A_196 : vector<16xi32>
          %swap3A_198 = arith.constant 0 : i32
          %swap3A_199 = arith.constant 0 : i32
          %swap3A_200 = arith.index_cast %swap3A_198 : i32 to index
          %swap3A_201 = arith.index_cast %swap3A_199 : i32 to index
          %swap3A_202 = arith.constant 64 : index
          %swap3A_203 = tpu.vector_load %arg6[%swap3A_200, %swap3A_201, %swap3A_202] {strides = array<i32>} : memref<2x1x128xi32, #tpu.memory_space<vmem>>, vector<1x1x16xi32>,
          %swap3A_204 = vector.shape_cast %swap3A_203 : vector<1x1x16xi32> to vector<16xi32>
          %swap3A_205 = vector.shape_cast %add3A_197 : vector<16xi32> to vector<1x1x16xi32>
          tpu.vector_store %arg6[%swap3A_200, %swap3A_201, %swap3A_202], %swap3A_205 {strides = array<i32>} : memref<2x1x128xi32, #tpu.memory_space<vmem>>, vector<1x1x16xi32>,
          %mul3A_206 = arith.constant 128 : i32
          %mul3A_207 = arith.muli %scan3A_48, %mul3A_206 : i32
          %add3A_208 = arith.constant 80 : i32
          %add3A_209 = arith.addi %mul3A_207, %add3A_208 : i32
          %add3A_210 = arith.addi %mul3A_2, %add3A_209 : i32
          %iota3A_211 = tpu.iota {dimensions = array<i32: 0>} : vector<16xi32>
          %add3A_212 = vector.broadcast %add3A_210 : i32 to vector<16xi32>
          %add3A_213 = arith.addi %add3A_212, %iota3A_211 : vector<16xi32>
          %rem3A_214 = arith.constant 200 : i32
          %rem3A_215 = vector.broadcast %rem3A_214 : i32 to vector<16xi32>
          %rem3A_216 = arith.remsi %add3A_213, %rem3A_215 : vector<16xi32>
          %mul3A_217 = arith.constant 48 : i32
          %mul3A_218 = vector.broadcast %mul3A_217 : i32 to vector<16xi32>
          %mul3A_219 = arith.muli %rem3A_216, %mul3A_218 : vector<16xi32>
          %get3A_220 = arith.index_cast %add3A_209 : i32 to index
          %get3A_221 = tpu.vector_load %arg5[%get3A_220] {strides = array<i32>} : memref<6400xi32, #tpu.memory_space<vmem>>, vector<16xi32>,
          %get3A_222 = vector.shape_cast %get3A_221 : vector<16xi32> to vector<16xi32>
          %add3A_223 = arith.addi %mul3A_219, %get3A_222 : vector<16xi32>
          %swap3A_224 = arith.constant 0 : i32
          %swap3A_225 = arith.constant 0 : i32
          %swap3A_226 = arith.index_cast %swap3A_224 : i32 to index
          %swap3A_227 = arith.index_cast %swap3A_225 : i32 to index
          %swap3A_228 = arith.constant 80 : index
          %swap3A_229 = tpu.vector_load %arg6[%swap3A_226, %swap3A_227, %swap3A_228] {strides = array<i32>} : memref<2x1x128xi32, #tpu.memory_space<vmem>>, vector<1x1x16xi32>,
          %swap3A_230 = vector.shape_cast %swap3A_229 : vector<1x1x16xi32> to vector<16xi32>
          %swap3A_231 = vector.shape_cast %add3A_223 : vector<16xi32> to vector<1x1x16xi32>
          tpu.vector_store %arg6[%swap3A_226, %swap3A_227, %swap3A_228], %swap3A_231 {strides = array<i32>} : memref<2x1x128xi32, #tpu.memory_space<vmem>>, vector<1x1x16xi32>,
          %mul3A_232 = arith.constant 128 : i32
          %mul3A_233 = arith.muli %scan3A_48, %mul3A_232 : i32
          %add3A_234 = arith.constant 96 : i32
          %add3A_235 = arith.addi %mul3A_233, %add3A_234 : i32
          %add3A_236 = arith.addi %mul3A_2, %add3A_235 : i32
          %iota3A_237 = tpu.iota {dimensions = array<i32: 0>} : vector<16xi32>
          %add3A_238 = vector.broadcast %add3A_236 : i32 to vector<16xi32>
          %add3A_239 = arith.addi %add3A_238, %iota3A_237 : vector<16xi32>
          %rem3A_240 = arith.constant 200 : i32
          %rem3A_241 = vector.broadcast %rem3A_240 : i32 to vector<16xi32>
          %rem3A_242 = arith.remsi %add3A_239, %rem3A_241 : vector<16xi32>
          %mul3A_243 = arith.constant 48 : i32
          %mul3A_244 = vector.broadcast %mul3A_243 : i32 to vector<16xi32>
          %mul3A_245 = arith.muli %rem3A_242, %mul3A_244 : vector<16xi32>
          %get3A_246 = arith.index_cast %add3A_235 : i32 to index
          %get3A_247 = tpu.vector_load %arg5[%get3A_246] {strides = array<i32>} : memref<6400xi32, #tpu.memory_space<vmem>>, vector<16xi32>,
          %get3A_248 = vector.shape_cast %get3A_247 : vector<16xi32> to vector<16xi32>
          %add3A_249 = arith.addi %mul3A_245, %get3A_248 : vector<16xi32>
          %swap3A_250 = arith.constant 0 : i32
          %swap3A_251 = arith.constant 0 : i32
          %swap3A_252 = arith.index_cast %swap3A_250 : i32 to index
          %swap3A_253 = arith.index_cast %swap3A_251 : i32 to index
          %swap3A_254 = arith.constant 96 : index
          %swap3A_255 = tpu.vector_load %arg6[%swap3A_252, %swap3A_253, %swap3A_254] {strides = array<i32>} : memref<2x1x128xi32, #tpu.memory_space<vmem>>, vector<1x1x16xi32>,
          %swap3A_256 = vector.shape_cast %swap3A_255 : vector<1x1x16xi32> to vector<16xi32>
          %swap3A_257 = vector.shape_cast %add3A_249 : vector<16xi32> to vector<1x1x16xi32>
          tpu.vector_store %arg6[%swap3A_252, %swap3A_253, %swap3A_254], %swap3A_257 {strides = array<i32>} : memref<2x1x128xi32, #tpu.memory_space<vmem>>, vector<1x1x16xi32>,
          %mul3A_258 = arith.constant 128 : i32
          %mul3A_259 = arith.muli %scan3A_48, %mul3A_258 : i32
          %add3A_260 = arith.constant 112 : i32
          %add3A_261 = arith.addi %mul3A_259, %add3A_260 : i32
          %add3A_262 = arith.addi %mul3A_2, %add3A_261 : i32
          %iota3A_263 = tpu.iota {dimensions = array<i32: 0>} : vector<16xi32>
          %add3A_264 = vector.broadcast %add3A_262 : i32 to vector<16xi32>
          %add3A_265 = arith.addi %add3A_264, %iota3A_263 : vector<16xi32>
          %rem3A_266 = arith.constant 200 : i32
          %rem3A_267 = vector.broadcast %rem3A_266 : i32 to vector<16xi32>
          %rem3A_268 = arith.remsi %add3A_265, %rem3A_267 : vector<16xi32>
          %mul3A_269 = arith.constant 48 : i32
          %mul3A_270 = vector.broadcast %mul3A_269 : i32 to vector<16xi32>
          %mul3A_271 = arith.muli %rem3A_268, %mul3A_270 : vector<16xi32>
          %get3A_272 = arith.index_cast %add3A_261 : i32 to index
          %get3A_273 = tpu.vector_load %arg5[%get3A_272] {strides = array<i32>} : memref<6400xi32, #tpu.memory_space<vmem>>, vector<16xi32>,
          %get3A_274 = vector.shape_cast %get3A_273 : vector<16xi32> to vector<16xi32>
          %add3A_275 = arith.addi %mul3A_271, %get3A_274 : vector<16xi32>
          %swap3A_276 = arith.constant 0 : i32
          %swap3A_277 = arith.constant 0 : i32
          %swap3A_278 = arith.index_cast %swap3A_276 : i32 to index
          %swap3A_279 = arith.index_cast %swap3A_277 : i32 to index
          %swap3A_280 = arith.constant 112 : index
          %swap3A_281 = tpu.vector_load %arg6[%swap3A_278, %swap3A_279, %swap3A_280] {strides = array<i32>} : memref<2x1x128xi32, #tpu.memory_space<vmem>>, vector<1x1x16xi32>,
          %swap3A_282 = vector.shape_cast %swap3A_281 : vector<1x1x16xi32> to vector<16xi32>
          %swap3A_283 = vector.shape_cast %add3A_275 : vector<16xi32> to vector<1x1x16xi32>
          tpu.vector_store %arg6[%swap3A_278, %swap3A_279, %swap3A_280], %swap3A_283 {strides = array<i32>} : memref<2x1x128xi32, #tpu.memory_space<vmem>>, vector<1x1x16xi32>,
          %lt3A_284 = arith.constant 4 : i32
          %lt3A_285 = arith.cmpi slt, %scan3A_48, %lt3A_284 : i32
          %convert_element_type3A_286 = arith.extui %lt3A_285 : i1 to i32
          %cond3A_287 = arith.constant 0 : i32
          %cond3A_288 = arith.cmpi ne, %convert_element_type3A_286, %cond3A_287 : i32
          scf.if %cond3A_288 {
            %dma_start3A_294 = arith.constant 0 : i32
            %dma_start3A_295 = arith.constant 0 : i32
            %dma_start3A_296 = arith.constant 0 : i32
            %dma_start3A_297 = arith.constant 0 : i32
            %dma_start3A_298 = arith.constant 0 : i32
            %dma_start3A_299 = tpu.memref_slice %arg7[%dma_start3A_296, %dma_start3A_297, %dma_start3A_298] : memref<2x128x128xf32, #tpu.memory_space<vmem>> -> memref<1x128x128xf32, #tpu.memory_space<vmem>>
            %dma_start3A_300 = tpu.memref_squeeze %dma_start3A_299 : memref<1x128x128xf32, #tpu.memory_space<vmem>> -> memref<128x128xf32, #tpu.memory_space<vmem>>
            %dma_start3A_301 = arith.constant 0 : i32
            %dma_start3A_302 = arith.constant 0 : i32
            %dma_start3A_303 = tpu.memref_slice %arg6[%dma_start3A_294, %dma_start3A_301, %dma_start3A_302] : memref<2x1x128xi32, #tpu.memory_space<vmem>> -> memref<1x1x128xi32, #tpu.memory_space<vmem>>
            %dma_start3A_304 = tpu.memref_squeeze %dma_start3A_303 : memref<1x1x128xi32, #tpu.memory_space<vmem>> -> memref<1x128xi32, #tpu.memory_space<vmem>>
            %dma_start3A_305 = arith.constant 0 : i32
            %dma_start3A_306 = tpu.memref_slice %dma_start3A_304[%dma_start3A_295, %dma_start3A_305] : memref<1x128xi32, #tpu.memory_space<vmem>> -> memref<1x128xi32, #tpu.memory_space<vmem>>
            %dma_start3A_307 = tpu.memref_squeeze %dma_start3A_306 : memref<1x128xi32, #tpu.memory_space<vmem>> -> memref<128xi32, #tpu.memory_space<vmem>>
            %dma_start3A_308 = arith.constant 0 : i32
            %dma_start3A_309 = arith.constant 0 : i32
            %dma_start3A_310 = tpu.memref_slice %arg3[%dma_start3A_308, %dma_start3A_309] : memref<9600x128xf32, #tpu.memory_space<hbm>> -> memref<9600x128xf32, #tpu.memory_space<hbm>>
            tpu.enqueue_indirect_dma source(%dma_start3A_310 : memref<9600x128xf32, #tpu.memory_space<hbm>>) target(%dma_start3A_300 : memref<128x128xf32, #tpu.memory_space<vmem>>) offsets(%dma_start3A_307 : memref<128xi32, #tpu.memory_space<vmem>>) semaphore(%arg9 : memref<!tpu.dma_semaphore, #tpu.memory_space<semaphore_mem>>)
          } else {
          }
          %ge3A_289 = arith.constant 4 : i32
          %ge3A_290 = arith.cmpi sge, %scan3A_48, %ge3A_289 : i32
          %convert_element_type3A_291 = arith.extui %ge3A_290 : i1 to i32
          %cond3A_292 = arith.constant 0 : i32
          %cond3A_293 = arith.cmpi ne, %convert_element_type3A_291, %cond3A_292 : i32
          scf.if %cond3A_293 {
            %dma_start3A_294 = arith.constant 0 : i32
            %dma_start3A_295 = arith.constant 0 : i32
            %dma_start3A_296 = arith.constant 0 : i32
            %dma_start3A_297 = arith.constant 0 : i32
            %dma_start3A_298 = arith.constant 0 : i32
            %dma_start3A_299 = tpu.memref_slice %arg7[%dma_start3A_296, %dma_start3A_297, %dma_start3A_298] : memref<2x128x128xf32, #tpu.memory_space<vmem>> -> memref<1x128x128xf32, #tpu.memory_space<vmem>>
            %dma_start3A_300 = tpu.memref_squeeze %dma_start3A_299 : memref<1x128x128xf32, #tpu.memory_space<vmem>> -> memref<128x128xf32, #tpu.memory_space<vmem>>
            %dma_start3A_301 = arith.constant 0 : i32
            %dma_start3A_302 = arith.constant 0 : i32
            %dma_start3A_303 = tpu.memref_slice %arg6[%dma_start3A_294, %dma_start3A_301, %dma_start3A_302] : memref<2x1x128xi32, #tpu.memory_space<vmem>> -> memref<1x1x128xi32, #tpu.memory_space<vmem>>
            %dma_start3A_304 = tpu.memref_squeeze %dma_start3A_303 : memref<1x1x128xi32, #tpu.memory_space<vmem>> -> memref<1x128xi32, #tpu.memory_space<vmem>>
            %dma_start3A_305 = arith.constant 0 : i32
            %dma_start3A_306 = tpu.memref_slice %dma_start3A_304[%dma_start3A_295, %dma_start3A_305] : memref<1x128xi32, #tpu.memory_space<vmem>> -> memref<1x128xi32, #tpu.memory_space<vmem>>
            %dma_start3A_307 = tpu.memref_squeeze %dma_start3A_306 : memref<1x128xi32, #tpu.memory_space<vmem>> -> memref<128xi32, #tpu.memory_space<vmem>>
            %dma_start3A_308 = arith.constant 0 : i32
            %dma_start3A_309 = arith.constant 0 : i32
            %dma_start3A_310 = tpu.memref_slice %arg8[%dma_start3A_308, %dma_start3A_309] : memref<9600x128xf32, #tpu.memory_space<vmem_shared>> -> memref<9600x128xf32, #tpu.memory_space<vmem_shared>>
            tpu.enqueue_indirect_dma source(%dma_start3A_310 : memref<9600x128xf32, #tpu.memory_space<vmem_shared>>) target(%dma_start3A_300 : memref<128x128xf32, #tpu.memory_space<vmem>>) offsets(%dma_start3A_307 : memref<128xi32, #tpu.memory_space<vmem>>) semaphore(%arg9 : memref<!tpu.dma_semaphore, #tpu.memory_space<semaphore_mem>>)
          } else {
          }
        } else {
        }
        %ge3A_74 = arith.constant 1 : i32
        %ge3A_75 = arith.cmpi sge, %scan3A_48, %ge3A_74 : i32
        %convert_element_type3A_76 = arith.extui %ge3A_75 : i1 to i32
        %cond3A_77 = arith.constant 0 : i32
        %cond3A_78 = arith.cmpi ne, %convert_element_type3A_76, %cond3A_77 : i32
        scf.if %cond3A_78 {
          %sub3A = arith.constant 1 : i32
          %sub3A_79 = arith.subi %scan3A_48, %sub3A : i32
          %dma_wait3A_80 = arith.constant 1 : i32
          %dma_wait3A_81 = arith.constant 0 : i32
          %dma_wait3A_82 = arith.constant 1 : i32
          %dma_wait3A_83 = arith.constant 0 : i32
          %dma_wait3A_84 = arith.constant 0 : i32
          %dma_wait3A_85 = tpu.memref_slice %arg7[%dma_wait3A_82, %dma_wait3A_83, %dma_wait3A_84] : memref<2x128x128xf32, #tpu.memory_space<vmem>> -> memref<1x128x128xf32, #tpu.memory_space<vmem>>
          %dma_wait3A_86 = tpu.memref_squeeze %dma_wait3A_85 : memref<1x128x128xf32, #tpu.memory_space<vmem>> -> memref<128x128xf32, #tpu.memory_space<vmem>>
          %dma_wait3A_87 = arith.constant 0 : i32
          %dma_wait3A_88 = arith.constant 0 : i32
          %dma_wait3A_89 = tpu.memref_slice %arg6[%dma_wait3A_80, %dma_wait3A_87, %dma_wait3A_88] : memref<2x1x128xi32, #tpu.memory_space<vmem>> -> memref<1x1x128xi32, #tpu.memory_space<vmem>>
          %dma_wait3A_90 = tpu.memref_squeeze %dma_wait3A_89 : memref<1x1x128xi32, #tpu.memory_space<vmem>> -> memref<1x128xi32, #tpu.memory_space<vmem>>
          %dma_wait3A_91 = arith.constant 0 : i32
          %dma_wait3A_92 = tpu.memref_slice %dma_wait3A_90[%dma_wait3A_81, %dma_wait3A_91] : memref<1x128xi32, #tpu.memory_space<vmem>> -> memref<1x128xi32, #tpu.memory_space<vmem>>
          %dma_wait3A_93 = tpu.memref_squeeze %dma_wait3A_92 : memref<1x128xi32, #tpu.memory_space<vmem>> -> memref<128xi32, #tpu.memory_space<vmem>>
          %dma_wait3A_94 = arith.constant 0 : i32
          %dma_wait3A_95 = arith.constant 0 : i32
          %dma_wait3A_96 = tpu.memref_slice %arg8[%dma_wait3A_94, %dma_wait3A_95] : memref<9600x128xf32, #tpu.memory_space<vmem_shared>> -> memref<9600x128xf32, #tpu.memory_space<vmem_shared>>
          tpu.wait_indirect_dma semaphore(%arg10 : memref<!tpu.dma_semaphore, #tpu.memory_space<semaphore_mem>>) src(%dma_wait3A_96 : memref<9600x128xf32, #tpu.memory_space<vmem_shared>>) dst(%dma_wait3A_86 : memref<128x128xf32, #tpu.memory_space<vmem>>)
          %sub3A_97 = arith.constant 1 : i32
          %sub3A_98 = arith.subi %scan3A_48, %sub3A_97 : i32
          %mul3A_99 = arith.constant 128 : i32
          %mul3A_100 = arith.muli %sub3A_98, %mul3A_99 : i32
          %add3A_101 = arith.addi %mul3A_2, %mul3A_100 : i32
          %dma_start3A_102 = arith.constant 1 : i32
          %dma_start3A_103 = arith.constant 0 : i32
          %dma_start3A_104 = arith.constant 0 : i32
          %dma_start3A_105 = tpu.memref_slice %arg7[%dma_start3A_102, %dma_start3A_103, %dma_start3A_104] : memref<2x128x128xf32, #tpu.memory_space<vmem>> -> memref<1x128x128xf32, #tpu.memory_space<vmem>>
          %dma_start3A_106 = tpu.memref_squeeze %dma_start3A_105 : memref<1x128x128xf32, #tpu.memory_space<vmem>> -> memref<128x128xf32, #tpu.memory_space<vmem>>
          %dma_start3A_107 = arith.constant 0 : i32
          %dma_start3A_108 = tpu.memref_slice %arg4[%add3A_101, %dma_start3A_107] : memref<204800x128xf32, #tpu.memory_space<hbm>> -> memref<128x128xf32, #tpu.memory_space<hbm>>
          %dma_start3A_109 = arith.constant 0 : i32
          %dma_start3A_110 = tpu.memref_slice %arg4[%add3A_101, %dma_start3A_109] : memref<204800x128xf32, #tpu.memory_space<hbm>> -> memref<128x128xf32, #tpu.memory_space<hbm>>
          %dma_start3A_111 = arith.constant 0 : i32
          %dma_start3A_112 = arith.constant 0 : i32
          %dma_start3A_113 = tpu.memref_slice %arg7[%dma_start3A_102, %dma_start3A_111, %dma_start3A_112] : memref<2x128x128xf32, #tpu.memory_space<vmem>> -> memref<1x128x128xf32, #tpu.memory_space<vmem>>
          %dma_start3A_114 = tpu.memref_squeeze %dma_start3A_113 : memref<1x128x128xf32, #tpu.memory_space<vmem>> -> memref<128x128xf32, #tpu.memory_space<vmem>>
          tpu.enqueue_dma source(%dma_start3A_114 : memref<128x128xf32, #tpu.memory_space<vmem>>) target(%dma_start3A_110 : memref<128x128xf32, #tpu.memory_space<hbm>>) target_semaphore(%arg12 : memref<!tpu.dma_semaphore, #tpu.memory_space<semaphore_mem>>)
        } else {
        }
      } else {
      }
      %rem3A_52 = arith.constant 2 : i32
      %rem3A_53 = arith.remsi %scan3A_48, %rem3A_52 : i32
      %eq3A_54 = arith.constant 1 : i32
      %eq3A_55 = arith.cmpi eq, %rem3A_53, %eq3A_54 : i32
      %convert_element_type3A_56 = arith.extui %eq3A_55 : i1 to i32
      %cond3A_57 = arith.constant 0 : i32
      %cond3A_58 = arith.cmpi ne, %convert_element_type3A_56, %cond3A_57 : i32
      scf.if %cond3A_58 {
        %ge3A = arith.constant 2 : i32
        %ge3A_59 = arith.cmpi sge, %scan3A_48, %ge3A : i32
        %lt3A = arith.constant 50 : i32
        %lt3A_60 = arith.cmpi slt, %scan3A_48, %lt3A : i32
        %and3A = arith.andi %ge3A_59, %lt3A_60 : i1
        %convert_element_type3A_61 = arith.extui %and3A : i1 to i32
        %cond3A_62 = arith.constant 0 : i32
        %cond3A_63 = arith.cmpi ne, %convert_element_type3A_61, %cond3A_62 : i32
        scf.if %cond3A_63 {
          %sub3A = arith.constant 2 : i32
          %sub3A_79 = arith.subi %scan3A_48, %sub3A : i32
          %mul3A_80 = arith.constant 128 : i32
          %mul3A_81 = arith.muli %sub3A_79, %mul3A_80 : i32
          %add3A_82 = arith.addi %mul3A_2, %mul3A_81 : i32
          %dma_wait3A_83 = arith.constant 1 : i32
          %dma_wait3A_84 = arith.constant 0 : i32
          %dma_wait3A_85 = arith.constant 0 : i32
          %dma_wait3A_86 = tpu.memref_slice %arg7[%dma_wait3A_83, %dma_wait3A_84, %dma_wait3A_85] : memref<2x128x128xf32, #tpu.memory_space<vmem>> -> memref<1x128x128xf32, #tpu.memory_space<vmem>>
          %dma_wait3A_87 = tpu.memref_squeeze %dma_wait3A_86 : memref<1x128x128xf32, #tpu.memory_space<vmem>> -> memref<128x128xf32, #tpu.memory_space<vmem>>
          %dma_wait3A_88 = arith.constant 0 : i32
          %dma_wait3A_89 = tpu.memref_slice %arg4[%add3A_82, %dma_wait3A_88] : memref<204800x128xf32, #tpu.memory_space<hbm>> -> memref<128x128xf32, #tpu.memory_space<hbm>>
          %dma_wait3A_90 = arith.constant 0 : i32
          %dma_wait3A_91 = tpu.memref_slice %arg4[%add3A_82, %dma_wait3A_90] : memref<204800x128xf32, #tpu.memory_space<hbm>> -> memref<128x128xf32, #tpu.memory_space<hbm>>
          %dma_wait3A_92 = arith.constant 0 : i32
          %dma_wait3A_93 = arith.constant 0 : i32
          %dma_wait3A_94 = tpu.memref_slice %arg7[%dma_wait3A_83, %dma_wait3A_92, %dma_wait3A_93] : memref<2x128x128xf32, #tpu.memory_space<vmem>> -> memref<1x128x128xf32, #tpu.memory_space<vmem>>
          %dma_wait3A_95 = tpu.memref_squeeze %dma_wait3A_94 : memref<1x128x128xf32, #tpu.memory_space<vmem>> -> memref<128x128xf32, #tpu.memory_space<vmem>>
          tpu.wait_dma2 semaphore(%arg12 : memref<!tpu.dma_semaphore, #tpu.memory_space<semaphore_mem>>) src(%dma_wait3A_95 : memref<128x128xf32, #tpu.memory_space<vmem>>) dst(%dma_wait3A_91 : memref<128x128xf32, #tpu.memory_space<hbm>>)
        } else {
        }
        %eq3A_64 = arith.constant 4 : i32
        %eq3A_65 = arith.cmpi eq, %scan3A_48, %eq3A_64 : i32
        %convert_element_type3A_66 = arith.extui %eq3A_65 : i1 to i32
        %cond3A_67 = arith.constant 0 : i32
        %cond3A_68 = arith.cmpi ne, %convert_element_type3A_66, %cond3A_67 : i32
        scf.if %cond3A_68 {
          %dma_wait3A_79 = arith.constant 0 : i32
          %dma_wait3A_80 = tpu.memref_slice %arg8[%mul3A_7, %dma_wait3A_79] : memref<9600x128xf32, #tpu.memory_space<vmem_shared>> -> memref<600x128xf32, #tpu.memory_space<vmem_shared>>
          %dma_wait3A_81 = arith.constant 0 : i32
          %dma_wait3A_82 = tpu.memref_slice %arg3[%mul3A_5, %dma_wait3A_81] : memref<9600x128xf32, #tpu.memory_space<hbm>> -> memref<600x128xf32, #tpu.memory_space<hbm>>
          tpu.wait_dma2 semaphore(%arg13 : memref<!tpu.dma_semaphore, #tpu.memory_space<semaphore_mem>>) src(%dma_wait3A_82 : memref<600x128xf32, #tpu.memory_space<hbm>>) dst(%dma_wait3A_80 : memref<600x128xf32, #tpu.memory_space<vmem_shared>>)
          %barrier3A = arith.constant 0 : index
          tpu.barrier barrier_id(%barrier3A)
        } else {
        }
        %lt3A_69 = arith.constant 50 : i32
        %lt3A_70 = arith.cmpi slt, %scan3A_48, %lt3A_69 : i32
        %convert_element_type3A_71 = arith.extui %lt3A_70 : i1 to i32
        %cond3A_72 = arith.constant 0 : i32
        %cond3A_73 = arith.cmpi ne, %convert_element_type3A_71, %cond3A_72 : i32
        scf.if %cond3A_73 {
          %mul3A_79 = arith.constant 128 : i32
          %mul3A_80 = arith.muli %scan3A_48, %mul3A_79 : i32
          %add3A_81 = arith.constant 0 : i32
          %add3A_82 = arith.addi %mul3A_80, %add3A_81 : i32
          %add3A_83 = arith.addi %mul3A_2, %add3A_82 : i32
          %iota3A = tpu.iota {dimensions = array<i32: 0>} : vector<16xi32>
          %add3A_84 = vector.broadcast %add3A_83 : i32 to vector<16xi32>
          %add3A_85 = arith.addi %add3A_84, %iota3A : vector<16xi32>
          %rem3A_86 = arith.constant 200 : i32
          %rem3A_87 = vector.broadcast %rem3A_86 : i32 to vector<16xi32>
          %rem3A_88 = arith.remsi %add3A_85, %rem3A_87 : vector<16xi32>
          %mul3A_89 = arith.constant 48 : i32
          %mul3A_90 = vector.broadcast %mul3A_89 : i32 to vector<16xi32>
          %mul3A_91 = arith.muli %rem3A_88, %mul3A_90 : vector<16xi32>
          %get3A = arith.index_cast %add3A_82 : i32 to index
          %get3A_92 = tpu.vector_load %arg5[%get3A] {strides = array<i32>} : memref<6400xi32, #tpu.memory_space<vmem>>, vector<16xi32>,
          %get3A_93 = vector.shape_cast %get3A_92 : vector<16xi32> to vector<16xi32>
          %add3A_94 = arith.addi %mul3A_91, %get3A_93 : vector<16xi32>
          %swap3A = arith.constant 1 : i32
          %swap3A_95 = arith.constant 0 : i32
          %swap3A_96 = arith.index_cast %swap3A : i32 to index
          %swap3A_97 = arith.index_cast %swap3A_95 : i32 to index
          %swap3A_98 = arith.constant 0 : index
          %swap3A_99 = tpu.vector_load %arg6[%swap3A_96, %swap3A_97, %swap3A_98] {strides = array<i32>} : memref<2x1x128xi32, #tpu.memory_space<vmem>>, vector<1x1x16xi32>,
          %swap3A_100 = vector.shape_cast %swap3A_99 : vector<1x1x16xi32> to vector<16xi32>
          %swap3A_101 = vector.shape_cast %add3A_94 : vector<16xi32> to vector<1x1x16xi32>
          tpu.vector_store %arg6[%swap3A_96, %swap3A_97, %swap3A_98], %swap3A_101 {strides = array<i32>} : memref<2x1x128xi32, #tpu.memory_space<vmem>>, vector<1x1x16xi32>,
          %mul3A_102 = arith.constant 128 : i32
          %mul3A_103 = arith.muli %scan3A_48, %mul3A_102 : i32
          %add3A_104 = arith.constant 16 : i32
          %add3A_105 = arith.addi %mul3A_103, %add3A_104 : i32
          %add3A_106 = arith.addi %mul3A_2, %add3A_105 : i32
          %iota3A_107 = tpu.iota {dimensions = array<i32: 0>} : vector<16xi32>
          %add3A_108 = vector.broadcast %add3A_106 : i32 to vector<16xi32>
          %add3A_109 = arith.addi %add3A_108, %iota3A_107 : vector<16xi32>
          %rem3A_110 = arith.constant 200 : i32
          %rem3A_111 = vector.broadcast %rem3A_110 : i32 to vector<16xi32>
          %rem3A_112 = arith.remsi %add3A_109, %rem3A_111 : vector<16xi32>
          %mul3A_113 = arith.constant 48 : i32
          %mul3A_114 = vector.broadcast %mul3A_113 : i32 to vector<16xi32>
          %mul3A_115 = arith.muli %rem3A_112, %mul3A_114 : vector<16xi32>
          %get3A_116 = arith.index_cast %add3A_105 : i32 to index
          %get3A_117 = tpu.vector_load %arg5[%get3A_116] {strides = array<i32>} : memref<6400xi32, #tpu.memory_space<vmem>>, vector<16xi32>,
          %get3A_118 = vector.shape_cast %get3A_117 : vector<16xi32> to vector<16xi32>
          %add3A_119 = arith.addi %mul3A_115, %get3A_118 : vector<16xi32>
          %swap3A_120 = arith.constant 1 : i32
          %swap3A_121 = arith.constant 0 : i32
          %swap3A_122 = arith.index_cast %swap3A_120 : i32 to index
          %swap3A_123 = arith.index_cast %swap3A_121 : i32 to index
          %swap3A_124 = arith.constant 16 : index
          %swap3A_125 = tpu.vector_load %arg6[%swap3A_122, %swap3A_123, %swap3A_124] {strides = array<i32>} : memref<2x1x128xi32, #tpu.memory_space<vmem>>, vector<1x1x16xi32>,
          %swap3A_126 = vector.shape_cast %swap3A_125 : vector<1x1x16xi32> to vector<16xi32>
          %swap3A_127 = vector.shape_cast %add3A_119 : vector<16xi32> to vector<1x1x16xi32>
          tpu.vector_store %arg6[%swap3A_122, %swap3A_123, %swap3A_124], %swap3A_127 {strides = array<i32>} : memref<2x1x128xi32, #tpu.memory_space<vmem>>, vector<1x1x16xi32>,
          %mul3A_128 = arith.constant 128 : i32
          %mul3A_129 = arith.muli %scan3A_48, %mul3A_128 : i32
          %add3A_130 = arith.constant 32 : i32
          %add3A_131 = arith.addi %mul3A_129, %add3A_130 : i32
          %add3A_132 = arith.addi %mul3A_2, %add3A_131 : i32
          %iota3A_133 = tpu.iota {dimensions = array<i32: 0>} : vector<16xi32>
          %add3A_134 = vector.broadcast %add3A_132 : i32 to vector<16xi32>
          %add3A_135 = arith.addi %add3A_134, %iota3A_133 : vector<16xi32>
          %rem3A_136 = arith.constant 200 : i32
          %rem3A_137 = vector.broadcast %rem3A_136 : i32 to vector<16xi32>
          %rem3A_138 = arith.remsi %add3A_135, %rem3A_137 : vector<16xi32>
          %mul3A_139 = arith.constant 48 : i32
          %mul3A_140 = vector.broadcast %mul3A_139 : i32 to vector<16xi32>
          %mul3A_141 = arith.muli %rem3A_138, %mul3A_140 : vector<16xi32>
          %get3A_142 = arith.index_cast %add3A_131 : i32 to index
          %get3A_143 = tpu.vector_load %arg5[%get3A_142] {strides = array<i32>} : memref<6400xi32, #tpu.memory_space<vmem>>, vector<16xi32>,
          %get3A_144 = vector.shape_cast %get3A_143 : vector<16xi32> to vector<16xi32>
          %add3A_145 = arith.addi %mul3A_141, %get3A_144 : vector<16xi32>
          %swap3A_146 = arith.constant 1 : i32
          %swap3A_147 = arith.constant 0 : i32
          %swap3A_148 = arith.index_cast %swap3A_146 : i32 to index
          %swap3A_149 = arith.index_cast %swap3A_147 : i32 to index
          %swap3A_150 = arith.constant 32 : index
          %swap3A_151 = tpu.vector_load %arg6[%swap3A_148, %swap3A_149, %swap3A_150] {strides = array<i32>} : memref<2x1x128xi32, #tpu.memory_space<vmem>>, vector<1x1x16xi32>,
          %swap3A_152 = vector.shape_cast %swap3A_151 : vector<1x1x16xi32> to vector<16xi32>
          %swap3A_153 = vector.shape_cast %add3A_145 : vector<16xi32> to vector<1x1x16xi32>
          tpu.vector_store %arg6[%swap3A_148, %swap3A_149, %swap3A_150], %swap3A_153 {strides = array<i32>} : memref<2x1x128xi32, #tpu.memory_space<vmem>>, vector<1x1x16xi32>,
          %mul3A_154 = arith.constant 128 : i32
          %mul3A_155 = arith.muli %scan3A_48, %mul3A_154 : i32
          %add3A_156 = arith.constant 48 : i32
          %add3A_157 = arith.addi %mul3A_155, %add3A_156 : i32
          %add3A_158 = arith.addi %mul3A_2, %add3A_157 : i32
          %iota3A_159 = tpu.iota {dimensions = array<i32: 0>} : vector<16xi32>
          %add3A_160 = vector.broadcast %add3A_158 : i32 to vector<16xi32>
          %add3A_161 = arith.addi %add3A_160, %iota3A_159 : vector<16xi32>
          %rem3A_162 = arith.constant 200 : i32
          %rem3A_163 = vector.broadcast %rem3A_162 : i32 to vector<16xi32>
          %rem3A_164 = arith.remsi %add3A_161, %rem3A_163 : vector<16xi32>
          %mul3A_165 = arith.constant 48 : i32
          %mul3A_166 = vector.broadcast %mul3A_165 : i32 to vector<16xi32>
          %mul3A_167 = arith.muli %rem3A_164, %mul3A_166 : vector<16xi32>
          %get3A_168 = arith.index_cast %add3A_157 : i32 to index
          %get3A_169 = tpu.vector_load %arg5[%get3A_168] {strides = array<i32>} : memref<6400xi32, #tpu.memory_space<vmem>>, vector<16xi32>,
          %get3A_170 = vector.shape_cast %get3A_169 : vector<16xi32> to vector<16xi32>
          %add3A_171 = arith.addi %mul3A_167, %get3A_170 : vector<16xi32>
          %swap3A_172 = arith.constant 1 : i32
          %swap3A_173 = arith.constant 0 : i32
          %swap3A_174 = arith.index_cast %swap3A_172 : i32 to index
          %swap3A_175 = arith.index_cast %swap3A_173 : i32 to index
          %swap3A_176 = arith.constant 48 : index
          %swap3A_177 = tpu.vector_load %arg6[%swap3A_174, %swap3A_175, %swap3A_176] {strides = array<i32>} : memref<2x1x128xi32, #tpu.memory_space<vmem>>, vector<1x1x16xi32>,
          %swap3A_178 = vector.shape_cast %swap3A_177 : vector<1x1x16xi32> to vector<16xi32>
          %swap3A_179 = vector.shape_cast %add3A_171 : vector<16xi32> to vector<1x1x16xi32>
          tpu.vector_store %arg6[%swap3A_174, %swap3A_175, %swap3A_176], %swap3A_179 {strides = array<i32>} : memref<2x1x128xi32, #tpu.memory_space<vmem>>, vector<1x1x16xi32>,
          %mul3A_180 = arith.constant 128 : i32
          %mul3A_181 = arith.muli %scan3A_48, %mul3A_180 : i32
          %add3A_182 = arith.constant 64 : i32
          %add3A_183 = arith.addi %mul3A_181, %add3A_182 : i32
          %add3A_184 = arith.addi %mul3A_2, %add3A_183 : i32
          %iota3A_185 = tpu.iota {dimensions = array<i32: 0>} : vector<16xi32>
          %add3A_186 = vector.broadcast %add3A_184 : i32 to vector<16xi32>
          %add3A_187 = arith.addi %add3A_186, %iota3A_185 : vector<16xi32>
          %rem3A_188 = arith.constant 200 : i32
          %rem3A_189 = vector.broadcast %rem3A_188 : i32 to vector<16xi32>
          %rem3A_190 = arith.remsi %add3A_187, %rem3A_189 : vector<16xi32>
          %mul3A_191 = arith.constant 48 : i32
          %mul3A_192 = vector.broadcast %mul3A_191 : i32 to vector<16xi32>
          %mul3A_193 = arith.muli %rem3A_190, %mul3A_192 : vector<16xi32>
          %get3A_194 = arith.index_cast %add3A_183 : i32 to index
          %get3A_195 = tpu.vector_load %arg5[%get3A_194] {strides = array<i32>} : memref<6400xi32, #tpu.memory_space<vmem>>, vector<16xi32>,
          %get3A_196 = vector.shape_cast %get3A_195 : vector<16xi32> to vector<16xi32>
          %add3A_197 = arith.addi %mul3A_193, %get3A_196 : vector<16xi32>
          %swap3A_198 = arith.constant 1 : i32
          %swap3A_199 = arith.constant 0 : i32
          %swap3A_200 = arith.index_cast %swap3A_198 : i32 to index
          %swap3A_201 = arith.index_cast %swap3A_199 : i32 to index
          %swap3A_202 = arith.constant 64 : index
          %swap3A_203 = tpu.vector_load %arg6[%swap3A_200, %swap3A_201, %swap3A_202] {strides = array<i32>} : memref<2x1x128xi32, #tpu.memory_space<vmem>>, vector<1x1x16xi32>,
          %swap3A_204 = vector.shape_cast %swap3A_203 : vector<1x1x16xi32> to vector<16xi32>
          %swap3A_205 = vector.shape_cast %add3A_197 : vector<16xi32> to vector<1x1x16xi32>
          tpu.vector_store %arg6[%swap3A_200, %swap3A_201, %swap3A_202], %swap3A_205 {strides = array<i32>} : memref<2x1x128xi32, #tpu.memory_space<vmem>>, vector<1x1x16xi32>,
          %mul3A_206 = arith.constant 128 : i32
          %mul3A_207 = arith.muli %scan3A_48, %mul3A_206 : i32
          %add3A_208 = arith.constant 80 : i32
          %add3A_209 = arith.addi %mul3A_207, %add3A_208 : i32
          %add3A_210 = arith.addi %mul3A_2, %add3A_209 : i32
          %iota3A_211 = tpu.iota {dimensions = array<i32: 0>} : vector<16xi32>
          %add3A_212 = vector.broadcast %add3A_210 : i32 to vector<16xi32>
          %add3A_213 = arith.addi %add3A_212, %iota3A_211 : vector<16xi32>
          %rem3A_214 = arith.constant 200 : i32
          %rem3A_215 = vector.broadcast %rem3A_214 : i32 to vector<16xi32>
          %rem3A_216 = arith.remsi %add3A_213, %rem3A_215 : vector<16xi32>
          %mul3A_217 = arith.constant 48 : i32
          %mul3A_218 = vector.broadcast %mul3A_217 : i32 to vector<16xi32>
          %mul3A_219 = arith.muli %rem3A_216, %mul3A_218 : vector<16xi32>
          %get3A_220 = arith.index_cast %add3A_209 : i32 to index
          %get3A_221 = tpu.vector_load %arg5[%get3A_220] {strides = array<i32>} : memref<6400xi32, #tpu.memory_space<vmem>>, vector<16xi32>,
          %get3A_222 = vector.shape_cast %get3A_221 : vector<16xi32> to vector<16xi32>
          %add3A_223 = arith.addi %mul3A_219, %get3A_222 : vector<16xi32>
          %swap3A_224 = arith.constant 1 : i32
          %swap3A_225 = arith.constant 0 : i32
          %swap3A_226 = arith.index_cast %swap3A_224 : i32 to index
          %swap3A_227 = arith.index_cast %swap3A_225 : i32 to index
          %swap3A_228 = arith.constant 80 : index
          %swap3A_229 = tpu.vector_load %arg6[%swap3A_226, %swap3A_227, %swap3A_228] {strides = array<i32>} : memref<2x1x128xi32, #tpu.memory_space<vmem>>, vector<1x1x16xi32>,
          %swap3A_230 = vector.shape_cast %swap3A_229 : vector<1x1x16xi32> to vector<16xi32>
          %swap3A_231 = vector.shape_cast %add3A_223 : vector<16xi32> to vector<1x1x16xi32>
          tpu.vector_store %arg6[%swap3A_226, %swap3A_227, %swap3A_228], %swap3A_231 {strides = array<i32>} : memref<2x1x128xi32, #tpu.memory_space<vmem>>, vector<1x1x16xi32>,
          %mul3A_232 = arith.constant 128 : i32
          %mul3A_233 = arith.muli %scan3A_48, %mul3A_232 : i32
          %add3A_234 = arith.constant 96 : i32
          %add3A_235 = arith.addi %mul3A_233, %add3A_234 : i32
          %add3A_236 = arith.addi %mul3A_2, %add3A_235 : i32
          %iota3A_237 = tpu.iota {dimensions = array<i32: 0>} : vector<16xi32>
          %add3A_238 = vector.broadcast %add3A_236 : i32 to vector<16xi32>
          %add3A_239 = arith.addi %add3A_238, %iota3A_237 : vector<16xi32>
          %rem3A_240 = arith.constant 200 : i32
          %rem3A_241 = vector.broadcast %rem3A_240 : i32 to vector<16xi32>
          %rem3A_242 = arith.remsi %add3A_239, %rem3A_241 : vector<16xi32>
          %mul3A_243 = arith.constant 48 : i32
          %mul3A_244 = vector.broadcast %mul3A_243 : i32 to vector<16xi32>
          %mul3A_245 = arith.muli %rem3A_242, %mul3A_244 : vector<16xi32>
          %get3A_246 = arith.index_cast %add3A_235 : i32 to index
          %get3A_247 = tpu.vector_load %arg5[%get3A_246] {strides = array<i32>} : memref<6400xi32, #tpu.memory_space<vmem>>, vector<16xi32>,
          %get3A_248 = vector.shape_cast %get3A_247 : vector<16xi32> to vector<16xi32>
          %add3A_249 = arith.addi %mul3A_245, %get3A_248 : vector<16xi32>
          %swap3A_250 = arith.constant 1 : i32
          %swap3A_251 = arith.constant 0 : i32
          %swap3A_252 = arith.index_cast %swap3A_250 : i32 to index
          %swap3A_253 = arith.index_cast %swap3A_251 : i32 to index
          %swap3A_254 = arith.constant 96 : index
          %swap3A_255 = tpu.vector_load %arg6[%swap3A_252, %swap3A_253, %swap3A_254] {strides = array<i32>} : memref<2x1x128xi32, #tpu.memory_space<vmem>>, vector<1x1x16xi32>,
          %swap3A_256 = vector.shape_cast %swap3A_255 : vector<1x1x16xi32> to vector<16xi32>
          %swap3A_257 = vector.shape_cast %add3A_249 : vector<16xi32> to vector<1x1x16xi32>
          tpu.vector_store %arg6[%swap3A_252, %swap3A_253, %swap3A_254], %swap3A_257 {strides = array<i32>} : memref<2x1x128xi32, #tpu.memory_space<vmem>>, vector<1x1x16xi32>,
          %mul3A_258 = arith.constant 128 : i32
          %mul3A_259 = arith.muli %scan3A_48, %mul3A_258 : i32
          %add3A_260 = arith.constant 112 : i32
          %add3A_261 = arith.addi %mul3A_259, %add3A_260 : i32
          %add3A_262 = arith.addi %mul3A_2, %add3A_261 : i32
          %iota3A_263 = tpu.iota {dimensions = array<i32: 0>} : vector<16xi32>
          %add3A_264 = vector.broadcast %add3A_262 : i32 to vector<16xi32>
          %add3A_265 = arith.addi %add3A_264, %iota3A_263 : vector<16xi32>
          %rem3A_266 = arith.constant 200 : i32
          %rem3A_267 = vector.broadcast %rem3A_266 : i32 to vector<16xi32>
          %rem3A_268 = arith.remsi %add3A_265, %rem3A_267 : vector<16xi32>
          %mul3A_269 = arith.constant 48 : i32
          %mul3A_270 = vector.broadcast %mul3A_269 : i32 to vector<16xi32>
          %mul3A_271 = arith.muli %rem3A_268, %mul3A_270 : vector<16xi32>
          %get3A_272 = arith.index_cast %add3A_261 : i32 to index
          %get3A_273 = tpu.vector_load %arg5[%get3A_272] {strides = array<i32>} : memref<6400xi32, #tpu.memory_space<vmem>>, vector<16xi32>,
          %get3A_274 = vector.shape_cast %get3A_273 : vector<16xi32> to vector<16xi32>
          %add3A_275 = arith.addi %mul3A_271, %get3A_274 : vector<16xi32>
          %swap3A_276 = arith.constant 1 : i32
          %swap3A_277 = arith.constant 0 : i32
          %swap3A_278 = arith.index_cast %swap3A_276 : i32 to index
          %swap3A_279 = arith.index_cast %swap3A_277 : i32 to index
          %swap3A_280 = arith.constant 112 : index
          %swap3A_281 = tpu.vector_load %arg6[%swap3A_278, %swap3A_279, %swap3A_280] {strides = array<i32>} : memref<2x1x128xi32, #tpu.memory_space<vmem>>, vector<1x1x16xi32>,
          %swap3A_282 = vector.shape_cast %swap3A_281 : vector<1x1x16xi32> to vector<16xi32>
          %swap3A_283 = vector.shape_cast %add3A_275 : vector<16xi32> to vector<1x1x16xi32>
          tpu.vector_store %arg6[%swap3A_278, %swap3A_279, %swap3A_280], %swap3A_283 {strides = array<i32>} : memref<2x1x128xi32, #tpu.memory_space<vmem>>, vector<1x1x16xi32>,
          %lt3A_284 = arith.constant 4 : i32
          %lt3A_285 = arith.cmpi slt, %scan3A_48, %lt3A_284 : i32
          %convert_element_type3A_286 = arith.extui %lt3A_285 : i1 to i32
          %cond3A_287 = arith.constant 0 : i32
          %cond3A_288 = arith.cmpi ne, %convert_element_type3A_286, %cond3A_287 : i32
          scf.if %cond3A_288 {
            %dma_start3A_294 = arith.constant 1 : i32
            %dma_start3A_295 = arith.constant 0 : i32
            %dma_start3A_296 = arith.constant 1 : i32
            %dma_start3A_297 = arith.constant 0 : i32
            %dma_start3A_298 = arith.constant 0 : i32
            %dma_start3A_299 = tpu.memref_slice %arg7[%dma_start3A_296, %dma_start3A_297, %dma_start3A_298] : memref<2x128x128xf32, #tpu.memory_space<vmem>> -> memref<1x128x128xf32, #tpu.memory_space<vmem>>
            %dma_start3A_300 = tpu.memref_squeeze %dma_start3A_299 : memref<1x128x128xf32, #tpu.memory_space<vmem>> -> memref<128x128xf32, #tpu.memory_space<vmem>>
            %dma_start3A_301 = arith.constant 0 : i32
            %dma_start3A_302 = arith.constant 0 : i32
            %dma_start3A_303 = tpu.memref_slice %arg6[%dma_start3A_294, %dma_start3A_301, %dma_start3A_302] : memref<2x1x128xi32, #tpu.memory_space<vmem>> -> memref<1x1x128xi32, #tpu.memory_space<vmem>>
            %dma_start3A_304 = tpu.memref_squeeze %dma_start3A_303 : memref<1x1x128xi32, #tpu.memory_space<vmem>> -> memref<1x128xi32, #tpu.memory_space<vmem>>
            %dma_start3A_305 = arith.constant 0 : i32
            %dma_start3A_306 = tpu.memref_slice %dma_start3A_304[%dma_start3A_295, %dma_start3A_305] : memref<1x128xi32, #tpu.memory_space<vmem>> -> memref<1x128xi32, #tpu.memory_space<vmem>>
            %dma_start3A_307 = tpu.memref_squeeze %dma_start3A_306 : memref<1x128xi32, #tpu.memory_space<vmem>> -> memref<128xi32, #tpu.memory_space<vmem>>
            %dma_start3A_308 = arith.constant 0 : i32
            %dma_start3A_309 = arith.constant 0 : i32
            %dma_start3A_310 = tpu.memref_slice %arg3[%dma_start3A_308, %dma_start3A_309] : memref<9600x128xf32, #tpu.memory_space<hbm>> -> memref<9600x128xf32, #tpu.memory_space<hbm>>
            tpu.enqueue_indirect_dma source(%dma_start3A_310 : memref<9600x128xf32, #tpu.memory_space<hbm>>) target(%dma_start3A_300 : memref<128x128xf32, #tpu.memory_space<vmem>>) offsets(%dma_start3A_307 : memref<128xi32, #tpu.memory_space<vmem>>) semaphore(%arg10 : memref<!tpu.dma_semaphore, #tpu.memory_space<semaphore_mem>>)
          } else {
          }
          %ge3A_289 = arith.constant 4 : i32
          %ge3A_290 = arith.cmpi sge, %scan3A_48, %ge3A_289 : i32
          %convert_element_type3A_291 = arith.extui %ge3A_290 : i1 to i32
          %cond3A_292 = arith.constant 0 : i32
          %cond3A_293 = arith.cmpi ne, %convert_element_type3A_291, %cond3A_292 : i32
          scf.if %cond3A_293 {
            %dma_start3A_294 = arith.constant 1 : i32
            %dma_start3A_295 = arith.constant 0 : i32
            %dma_start3A_296 = arith.constant 1 : i32
            %dma_start3A_297 = arith.constant 0 : i32
            %dma_start3A_298 = arith.constant 0 : i32
            %dma_start3A_299 = tpu.memref_slice %arg7[%dma_start3A_296, %dma_start3A_297, %dma_start3A_298] : memref<2x128x128xf32, #tpu.memory_space<vmem>> -> memref<1x128x128xf32, #tpu.memory_space<vmem>>
            %dma_start3A_300 = tpu.memref_squeeze %dma_start3A_299 : memref<1x128x128xf32, #tpu.memory_space<vmem>> -> memref<128x128xf32, #tpu.memory_space<vmem>>
            %dma_start3A_301 = arith.constant 0 : i32
            %dma_start3A_302 = arith.constant 0 : i32
            %dma_start3A_303 = tpu.memref_slice %arg6[%dma_start3A_294, %dma_start3A_301, %dma_start3A_302] : memref<2x1x128xi32, #tpu.memory_space<vmem>> -> memref<1x1x128xi32, #tpu.memory_space<vmem>>
            %dma_start3A_304 = tpu.memref_squeeze %dma_start3A_303 : memref<1x1x128xi32, #tpu.memory_space<vmem>> -> memref<1x128xi32, #tpu.memory_space<vmem>>
            %dma_start3A_305 = arith.constant 0 : i32
            %dma_start3A_306 = tpu.memref_slice %dma_start3A_304[%dma_start3A_295, %dma_start3A_305] : memref<1x128xi32, #tpu.memory_space<vmem>> -> memref<1x128xi32, #tpu.memory_space<vmem>>
            %dma_start3A_307 = tpu.memref_squeeze %dma_start3A_306 : memref<1x128xi32, #tpu.memory_space<vmem>> -> memref<128xi32, #tpu.memory_space<vmem>>
            %dma_start3A_308 = arith.constant 0 : i32
            %dma_start3A_309 = arith.constant 0 : i32
            %dma_start3A_310 = tpu.memref_slice %arg8[%dma_start3A_308, %dma_start3A_309] : memref<9600x128xf32, #tpu.memory_space<vmem_shared>> -> memref<9600x128xf32, #tpu.memory_space<vmem_shared>>
            tpu.enqueue_indirect_dma source(%dma_start3A_310 : memref<9600x128xf32, #tpu.memory_space<vmem_shared>>) target(%dma_start3A_300 : memref<128x128xf32, #tpu.memory_space<vmem>>) offsets(%dma_start3A_307 : memref<128xi32, #tpu.memory_space<vmem>>) semaphore(%arg10 : memref<!tpu.dma_semaphore, #tpu.memory_space<semaphore_mem>>)
          } else {
          }
        } else {
        }
        %ge3A_74 = arith.constant 1 : i32
        %ge3A_75 = arith.cmpi sge, %scan3A_48, %ge3A_74 : i32
        %convert_element_type3A_76 = arith.extui %ge3A_75 : i1 to i32
        %cond3A_77 = arith.constant 0 : i32
        %cond3A_78 = arith.cmpi ne, %convert_element_type3A_76, %cond3A_77 : i32
        scf.if %cond3A_78 {
          %sub3A = arith.constant 1 : i32
          %sub3A_79 = arith.subi %scan3A_48, %sub3A : i32
          %dma_wait3A_80 = arith.constant 0 : i32
          %dma_wait3A_81 = arith.constant 0 : i32
          %dma_wait3A_82 = arith.constant 0 : i32
          %dma_wait3A_83 = arith.constant 0 : i32
          %dma_wait3A_84 = arith.constant 0 : i32
          %dma_wait3A_85 = tpu.memref_slice %arg7[%dma_wait3A_82, %dma_wait3A_83, %dma_wait3A_84] : memref<2x128x128xf32, #tpu.memory_space<vmem>> -> memref<1x128x128xf32, #tpu.memory_space<vmem>>
          %dma_wait3A_86 = tpu.memref_squeeze %dma_wait3A_85 : memref<1x128x128xf32, #tpu.memory_space<vmem>> -> memref<128x128xf32, #tpu.memory_space<vmem>>
          %dma_wait3A_87 = arith.constant 0 : i32
          %dma_wait3A_88 = arith.constant 0 : i32
          %dma_wait3A_89 = tpu.memref_slice %arg6[%dma_wait3A_80, %dma_wait3A_87, %dma_wait3A_88] : memref<2x1x128xi32, #tpu.memory_space<vmem>> -> memref<1x1x128xi32, #tpu.memory_space<vmem>>
          %dma_wait3A_90 = tpu.memref_squeeze %dma_wait3A_89 : memref<1x1x128xi32, #tpu.memory_space<vmem>> -> memref<1x128xi32, #tpu.memory_space<vmem>>
          %dma_wait3A_91 = arith.constant 0 : i32
          %dma_wait3A_92 = tpu.memref_slice %dma_wait3A_90[%dma_wait3A_81, %dma_wait3A_91] : memref<1x128xi32, #tpu.memory_space<vmem>> -> memref<1x128xi32, #tpu.memory_space<vmem>>
          %dma_wait3A_93 = tpu.memref_squeeze %dma_wait3A_92 : memref<1x128xi32, #tpu.memory_space<vmem>> -> memref<128xi32, #tpu.memory_space<vmem>>
          %dma_wait3A_94 = arith.constant 0 : i32
          %dma_wait3A_95 = arith.constant 0 : i32
          %dma_wait3A_96 = tpu.memref_slice %arg8[%dma_wait3A_94, %dma_wait3A_95] : memref<9600x128xf32, #tpu.memory_space<vmem_shared>> -> memref<9600x128xf32, #tpu.memory_space<vmem_shared>>
          tpu.wait_indirect_dma semaphore(%arg9 : memref<!tpu.dma_semaphore, #tpu.memory_space<semaphore_mem>>) src(%dma_wait3A_96 : memref<9600x128xf32, #tpu.memory_space<vmem_shared>>) dst(%dma_wait3A_86 : memref<128x128xf32, #tpu.memory_space<vmem>>)
          %sub3A_97 = arith.constant 1 : i32
          %sub3A_98 = arith.subi %scan3A_48, %sub3A_97 : i32
          %mul3A_99 = arith.constant 128 : i32
          %mul3A_100 = arith.muli %sub3A_98, %mul3A_99 : i32
          %add3A_101 = arith.addi %mul3A_2, %mul3A_100 : i32
          %dma_start3A_102 = arith.constant 0 : i32
          %dma_start3A_103 = arith.constant 0 : i32
          %dma_start3A_104 = arith.constant 0 : i32
          %dma_start3A_105 = tpu.memref_slice %arg7[%dma_start3A_102, %dma_start3A_103, %dma_start3A_104] : memref<2x128x128xf32, #tpu.memory_space<vmem>> -> memref<1x128x128xf32, #tpu.memory_space<vmem>>
          %dma_start3A_106 = tpu.memref_squeeze %dma_start3A_105 : memref<1x128x128xf32, #tpu.memory_space<vmem>> -> memref<128x128xf32, #tpu.memory_space<vmem>>
          %dma_start3A_107 = arith.constant 0 : i32
          %dma_start3A_108 = tpu.memref_slice %arg4[%add3A_101, %dma_start3A_107] : memref<204800x128xf32, #tpu.memory_space<hbm>> -> memref<128x128xf32, #tpu.memory_space<hbm>>
          %dma_start3A_109 = arith.constant 0 : i32
          %dma_start3A_110 = tpu.memref_slice %arg4[%add3A_101, %dma_start3A_109] : memref<204800x128xf32, #tpu.memory_space<hbm>> -> memref<128x128xf32, #tpu.memory_space<hbm>>
          %dma_start3A_111 = arith.constant 0 : i32
          %dma_start3A_112 = arith.constant 0 : i32
          %dma_start3A_113 = tpu.memref_slice %arg7[%dma_start3A_102, %dma_start3A_111, %dma_start3A_112] : memref<2x128x128xf32, #tpu.memory_space<vmem>> -> memref<1x128x128xf32, #tpu.memory_space<vmem>>
          %dma_start3A_114 = tpu.memref_squeeze %dma_start3A_113 : memref<1x128x128xf32, #tpu.memory_space<vmem>> -> memref<128x128xf32, #tpu.memory_space<vmem>>
          tpu.enqueue_dma source(%dma_start3A_114 : memref<128x128xf32, #tpu.memory_space<vmem>>) target(%dma_start3A_110 : memref<128x128xf32, #tpu.memory_space<hbm>>) target_semaphore(%arg11 : memref<!tpu.dma_semaphore, #tpu.memory_space<semaphore_mem>>)
        } else {
        }
      } else {
      }
    }
    %scan3A_17 = arith.constant 51 : i32
    %add3A_18 = arith.constant 6144 : i32
    %add3A_19 = arith.addi %mul3A_2, %add3A_18 : i32
    %dma_wait3A_20 = arith.constant 0 : i32
    %dma_wait3A_21 = arith.constant 0 : i32
    %dma_wait3A_22 = arith.constant 0 : i32
    %dma_wait3A_23 = tpu.memref_slice %arg7[%dma_wait3A_20, %dma_wait3A_21, %dma_wait3A_22] : memref<2x128x128xf32, #tpu.memory_space<vmem>> -> memref<1x128x128xf32, #tpu.memory_space<vmem>>
    %dma_wait3A_24 = tpu.memref_squeeze %dma_wait3A_23 : memref<1x128x128xf32, #tpu.memory_space<vmem>> -> memref<128x128xf32, #tpu.memory_space<vmem>>
    %dma_wait3A_25 = arith.constant 0 : i32
    %dma_wait3A_26 = tpu.memref_slice %arg4[%add3A_19, %dma_wait3A_25] : memref<204800x128xf32, #tpu.memory_space<hbm>> -> memref<128x128xf32, #tpu.memory_space<hbm>>
    %dma_wait3A_27 = arith.constant 0 : i32
    %dma_wait3A_28 = tpu.memref_slice %arg4[%add3A_19, %dma_wait3A_27] : memref<204800x128xf32, #tpu.memory_space<hbm>> -> memref<128x128xf32, #tpu.memory_space<hbm>>
    %dma_wait3A_29 = arith.constant 0 : i32
    %dma_wait3A_30 = arith.constant 0 : i32
    %dma_wait3A_31 = tpu.memref_slice %arg7[%dma_wait3A_20, %dma_wait3A_29, %dma_wait3A_30] : memref<2x128x128xf32, #tpu.memory_space<vmem>> -> memref<1x128x128xf32, #tpu.memory_space<vmem>>
    %dma_wait3A_32 = tpu.memref_squeeze %dma_wait3A_31 : memref<1x128x128xf32, #tpu.memory_space<vmem>> -> memref<128x128xf32, #tpu.memory_space<vmem>>
    tpu.wait_dma2 semaphore(%arg11 : memref<!tpu.dma_semaphore, #tpu.memory_space<semaphore_mem>>) src(%dma_wait3A_32 : memref<128x128xf32, #tpu.memory_space<vmem>>) dst(%dma_wait3A_28 : memref<128x128xf32, #tpu.memory_space<hbm>>)
    %add3A_33 = arith.constant 6272 : i32
    %add3A_34 = arith.addi %mul3A_2, %add3A_33 : i32
    %dma_wait3A_35 = arith.constant 1 : i32
    %dma_wait3A_36 = arith.constant 0 : i32
    %dma_wait3A_37 = arith.constant 0 : i32
    %dma_wait3A_38 = tpu.memref_slice %arg7[%dma_wait3A_35, %dma_wait3A_36, %dma_wait3A_37] : memref<2x128x128xf32, #tpu.memory_space<vmem>> -> memref<1x128x128xf32, #tpu.memory_space<vmem>>
    %dma_wait3A_39 = tpu.memref_squeeze %dma_wait3A_38 : memref<1x128x128xf32, #tpu.memory_space<vmem>> -> memref<128x128xf32, #tpu.memory_space<vmem>>
    %dma_wait3A_40 = arith.constant 0 : i32
    %dma_wait3A_41 = tpu.memref_slice %arg4[%add3A_34, %dma_wait3A_40] : memref<204800x128xf32, #tpu.memory_space<hbm>> -> memref<128x128xf32, #tpu.memory_space<hbm>>
    %dma_wait3A_42 = arith.constant 0 : i32
    %dma_wait3A_43 = tpu.memref_slice %arg4[%add3A_34, %dma_wait3A_42] : memref<204800x128xf32, #tpu.memory_space<hbm>> -> memref<128x128xf32, #tpu.memory_space<hbm>>
    %dma_wait3A_44 = arith.constant 0 : i32
    %dma_wait3A_45 = arith.constant 0 : i32
    %dma_wait3A_46 = tpu.memref_slice %arg7[%dma_wait3A_35, %dma_wait3A_44, %dma_wait3A_45] : memref<2x128x128xf32, #tpu.memory_space<vmem>> -> memref<1x128x128xf32, #tpu.memory_space<vmem>>
    %dma_wait3A_47 = tpu.memref_squeeze %dma_wait3A_46 : memref<1x128x128xf32, #tpu.memory_space<vmem>> -> memref<128x128xf32, #tpu.memory_space<vmem>>
    tpu.wait_dma2 semaphore(%arg12 : memref<!tpu.dma_semaphore, #tpu.memory_space<semaphore_mem>>) src(%dma_wait3A_47 : memref<128x128xf32, #tpu.memory_space<vmem>>) dst(%dma_wait3A_43 : memref<128x128xf32, #tpu.memory_space<hbm>>)
    return
  }
}

module attributes {stable_mosaic.version = 14 : i64} {
  func.func @_combine_body(%arg0: i32, %arg1: memref<200x128xf32, #tpu.memory_space<vmem>>, %arg2: memref<48x128xf32, #tpu.memory_space<vmem>>, %arg3: memref<200x48x128xf32, #tpu.memory_space<vmem>>) attributes {dimension_semantics = [#tpu.dimension_semantics<arbitrary>], iteration_bounds = array<i64: 1>, scalar_prefetch = 0 : i64, scratch_operands = 0 : i64, tpu.core_type = #tpu.core_type<tc>, window_params = [{pipeline_mode = #tpu.pipeline_mode<synchronous>, transform_indices = @transform_0, window_bounds = array<i64: 200, 128>}, {transform_indices = @transform_1, window_bounds = array<i64: 48, 128>}, {pipeline_mode = #tpu.pipeline_mode<synchronous>, transform_indices = @transform_2, window_bounds = array<i64: 200, 48, 128>}]} {
    %get3A = arith.constant 0 : index
    %get3A_0 = arith.constant 0 : index
    %get3A_1 = vector.load %arg1[%get3A, %get3A_0] : memref<200x128xf32, #tpu.memory_space<vmem>>, vector<200x128xf32>
    %get3A_2 = arith.constant 0 : index
    %get3A_3 = arith.constant 0 : index
    %get3A_4 = vector.load %arg2[%get3A_2, %get3A_3] : memref<48x128xf32, #tpu.memory_space<vmem>>, vector<48x128xf32>
    %broadcast_in_dim3A = vector.shape_cast %get3A_1 : vector<200x128xf32> to vector<200x1x128xf32>
    %broadcast_in_dim3A_5 = vector.shape_cast %get3A_4 : vector<48x128xf32> to vector<1x48x128xf32>
    %add3A = vector.broadcast %broadcast_in_dim3A : vector<200x1x128xf32> to vector<200x48x128xf32>
    %add3A_6 = vector.broadcast %broadcast_in_dim3A_5 : vector<1x48x128xf32> to vector<200x48x128xf32>
    %add3A_7 = arith.addf %add3A, %add3A_6 : vector<200x48x128xf32>
    %swap3A = arith.constant 0 : index
    %swap3A_8 = arith.constant 0 : index
    %swap3A_9 = arith.constant 0 : index
    %swap3A_10 = vector.load %arg3[%swap3A, %swap3A_8, %swap3A_9] : memref<200x48x128xf32, #tpu.memory_space<vmem>>, vector<200x48x128xf32>
    tpu.vector_store %arg3[%swap3A, %swap3A_8, %swap3A_9], %add3A_7 {strides = array<i32>} : memref<200x48x128xf32, #tpu.memory_space<vmem>>, vector<200x48x128xf32>,
    return
  }
  func.func @transform_0(%arg0: i32) -> (i32, i32) {
    %c0_i32 = arith.constant 0 : i32
    %c0_i32_0 = arith.constant 0 : i32
    %c0_i32_1 = arith.constant 0 : i32
    return %c0_i32, %c0_i32_0 : i32, i32
  }
  func.func @transform_1(%arg0: i32) -> (i32, i32) {
    %c0_i32 = arith.constant 0 : i32
    %c0_i32_0 = arith.constant 0 : i32
    %c0_i32_1 = arith.constant 0 : i32
    return %c0_i32, %c0_i32_0 : i32, i32
  }
  func.func @transform_2(%arg0: i32) -> (i32, i32, i32) {
    %c0_i32 = arith.constant 0 : i32
    %c0_i32_0 = arith.constant 0 : i32
    %c0_i32_1 = arith.constant 0 : i32
    %c0_i32_2 = arith.constant 0 : i32
    return %c0_i32, %c0_i32_0, %c0_i32_1 : i32, i32, i32
  }
}

</mosaic_0001>

<sc_bundles>
// kernel: kernel.4.cloned.1.call-start
scs
__scs_entry_jumppad:
0x0: {  	(pc) =	sbr.rel $0x88, $3  }
0x1: {  	(tag) =	ssettag $0x0;
	lr =	simm.s32 $0x1  }
0x2: {  	[smem:$0x3F9F] =	sst lr;
	_ =	strace $0xD0000000  }
0x3: {  	_ = 	snop  }
0x4: {  	_ = 	snop  }
0x5: {  	_ = 	snop  }
0x6: {  	_ = 	snop  }
0x7: {  	_ = 	snop  }
__scs_overlays_trampoline_lowered:
0x8: {  	[smem:$0x3FAE] =	sst s0  }
0x9: {  	[smem:$0x3FAF] =	sst s1  }
0xa: {  	[smem:$0x3FB0] =	sst s2  }
0xb: {  	[smem:$0x3FB1] =	sst s3  }
0xc: {  	[smem:$0x3FB2] =	sst s4  }
0xd: {  	[smem:$0x3FB3] =	sst s5  }
0xe: {  	[smem:$0x3FB4] =	sst s6  }
0xf: {  	[smem:$0x3FB5] =	sst s7  }
0x10: {  	[smem:$0x3FB6] =	sst s8  }
0x11: {  	[smem:$0x3FB7] =	sst s9;
	s0 =	simm.s32 @!p0 $0x0  }
0x12: {  	s1 =	sld [smem:$0x3F9D];
	s0 =	simm.s32 @p0 $0x1  }
0x13: {  	[smem:$0x3FB8] =	sst s0;
	s0 =	simm.s32 @!p1 $0x0  }
0x14: {  	s2 =	sld [smem:$0x3F9C];
	s0 =	simm.s32 @p1 $0x1  }
0x15: {  	[smem:$0x3FB9] =	sst s0;
	s0 =	simm.s32 @!p2 $0x0  }
0x16: {  	s3 =	sld [smem:$0x3FDB];
	s0 =	simm.s32 @p2 $0x1  }
0x17: {  	s4 =	simm.s32 $0x1BF5;
	[smem:$0x3FBB] =	sst s0  }
0x18: {  	s0 =	sld [smem:$0x3F9E];
	_ =	swait.ge [sflag:s4], $0x0  }
0x19: {  	s7 =	sld [smem:$0x3F9F]  }
0x1a: {  	s8 =	sadd.s32 $0xFFFFE003, lr  }
0x1b: {  	s9 =	sadd.s32 $0xFFFFFEF7, lr;
	s5 =	simm.s32 $0xFFFFFFFF;
	p2 =	slt.u32 s8, $0xFFFFF086  }
0x1c: {  	p1 =	slt.u32 s9, $0xF7A;
	s5 =	simm.s32 @!p2 $0x0  }
0x1d: {  	s5 =	simm.s32 @p1 $0x1;
	p0 =	seq.s32 s7, s2  }
0x1e: {  	s7 =	smul.u32 @!p0 $0xF7A, s2;
	p2 =	seq.s32 @!p0 s5, $0x0  }
0x1f: {  	s9 =	smul.u32 $0xF7A, s1;
	s8 =	simm.s32 @!p0 $0x1BF5;
	p2 =	por !p2, p0  }
0x20: {  	[sflag:s8] =	ssyncset.s32 @!p0 $0xFFFFF086;
	s6 =	sadd.s32 @!p0 s3, s7;
	s7 =	simm.s32 @!p0 $0x108  }
0x21: {  	s3 =	sadd.s32 s3, s9;
	s6 =	sadd.s32 @!p0 $0x88, s6;
	s7 =	simm.s32 @p2 $0x1082  }
0x22: {  	[simem:s7], [sflag:s8] =	dma.local @!p0 [hbm:s6], $0xF7A  }
0x23: {  	s9 =	sor.u32 $0xD0000000, s2;
	s6 =	simm.s32 $0x108;
	_ =	swait.ge @!p0 [sflag:s8], $0x0  }
0x24: {  	s3 =	sadd.s32 $0x88, s3;
	s6 =	simm.s32 @!p1 $0x1082;
	[sflag:s4] =	ssyncset.s32 $0xFFFFF086  }
0x25: {  	[simem:s6], [sflag:s4] =	dma.local [hbm:s3], $0xF7A  }
0x26: {  	[smem:$0x3F9F] =	sst s1;
	(tag) =	ssettag s2;
	_ =	strace s9  }
0x27: {  	s1 =	sld [smem:$0x3FAF]  }
0x28: {  	s2 =	sld [smem:$0x3FB0]  }
0x29: {  	s4 =	sld [smem:$0x3FB2]  }
0x2a: {  	p0 =	seq.s32 s5, $0x0;
	s5 =	sld [smem:$0x3FB3]  }
0x2b: {  	s6 =	sld [smem:$0x3FB4]  }
0x2c: {  	s7 =	sld [smem:$0x3FB5]  }
0x2d: {  	s3 =	simm.s32 $0x108;
	s8 =	sld [smem:$0x3FB6]  }
0x2e: {  	s3 =	simm.s32 @!p0 $0x1082;
	s9 =	sld [smem:$0x3FB7]  }
0x2f: {  	lr =	sadd.s32 s0, s3;
	s0 =	sld [smem:$0x3FAE]  }
0x30: {  	s3 =	sld [smem:$0x3FB1]  }
0x31: {  	[smem:$0x3FBA] =	sst s10  }
0x32: {  	s10 =	sld [smem:$0x3FB8];
	_ =	sdelay $0x3  }
0x33: {  	p0 =	seq.s32 s10, $0x1;
	s10 =	sld [smem:$0x3FBA];
	_ =	sdelay $0x3  }
0x34: {  	[smem:$0x3FBA] =	sst s10  }
0x35: {  	s10 =	sld [smem:$0x3FB9];
	_ =	sdelay $0x3  }
0x36: {  	p1 =	seq.s32 s10, $0x1;
	s10 =	sld [smem:$0x3FBA];
	_ =	sdelay $0x3  }
0x37: {  	[smem:$0x3FBA] =	sst s10  }
0x38: {  	s10 =	sld [smem:$0x3FBB]  }
0x39: {  	_ = 	snop;
	(pc) =	sbr.ind lr, $3  }
0x3a: {  	_ = 	snop  }
0x3b: {  	_ = 	snop  }
0x3c: {  	p2 =	seq.s32 s10, $0x1;
	s10 =	sld [smem:$0x3FBA]  }
0x3d: {  	_ =	shalt  }
0x3e: {  	_ =	shalt  }
0x3f: {  	_ =	shalt  }
0x40: {  	_ =	shalt  }
0x41: {  	_ =	shalt  }
0x42: {  	_ =	shalt  }
0x43: {  	_ =	shalt  }
0x44: {  	_ =	shalt  }
0x45: {  	_ =	shalt  }
0x46: {  	_ =	shalt  }
0x47: {  	_ =	shalt  }
0x48: {  	_ =	shalt  }
0x49: {  	_ =	shalt  }
0x4a: {  	_ =	shalt  }
0x4b: {  	_ =	shalt  }
0x4c: {  	_ =	shalt  }
0x4d: {  	_ =	shalt  }
0x4e: {  	_ =	shalt  }
0x4f: {  	_ =	shalt  }
0x50: {  	_ =	shalt  }
0x51: {  	_ =	shalt  }
0x52: {  	_ =	shalt  }
0x53: {  	_ =	shalt  }
0x54: {  	_ =	shalt  }
0x55: {  	_ =	shalt  }
0x56: {  	_ =	shalt  }
0x57: {  	_ =	shalt  }
0x58: {  	_ =	shalt  }
0x59: {  	_ =	shalt  }
0x5a: {  	_ =	shalt  }
0x5b: {  	_ =	shalt  }
0x5c: {  	_ =	shalt  }
0x5d: {  	_ =	shalt  }
0x5e: {  	_ =	shalt  }
0x5f: {  	_ =	shalt  }
0x60: {  	_ =	shalt  }
0x61: {  	_ =	shalt  }
0x62: {  	_ =	shalt  }
0x63: {  	_ =	shalt  }
0x64: {  	_ =	shalt  }
0x65: {  	_ =	shalt  }
0x66: {  	_ =	shalt  }
0x67: {  	_ =	shalt  }
0x68: {  	_ =	shalt  }
0x69: {  	_ =	shalt  }
0x6a: {  	_ =	shalt  }
0x6b: {  	_ =	shalt  }
0x6c: {  	_ =	shalt  }
0x6d: {  	_ =	shalt  }
0x6e: {  	_ =	shalt  }
0x6f: {  	_ =	shalt  }
0x70: {  	_ =	shalt  }
0x71: {  	_ =	shalt  }
0x72: {  	_ =	shalt  }
0x73: {  	_ =	shalt  }
0x74: {  	_ =	shalt  }
0x75: {  	_ =	shalt  }
0x76: {  	_ =	shalt  }
0x77: {  	_ =	shalt  }
0x78: {  	_ =	shalt  }
0x79: {  	_ =	shalt  }
0x7a: {  	_ =	shalt  }
0x7b: {  	_ =	shalt  }
0x7c: {  	_ =	shalt  }
0x7d: {  	_ =	shalt  }
0x7e: {  	_ =	shalt  }
0x7f: {  	_ =	shalt  }
0x80: {  	_ =	shalt  }
0x81: {  	_ =	shalt  }
0x82: {  	_ =	shalt  }
0x83: {  	_ =	shalt  }
0x84: {  	_ =	shalt  }
0x85: {  	_ =	shalt  }
0x86: {  	_ =	shalt  }
0x87: {  	_ =	shalt  }
.Lfunc_end0:
.L_simem_size_0:
called_computation_lowered:
.L_overlay_start_0:
0x88: {  	s2 =	sld [smem:$0x3FD9]  }
0x89: {  	s3 =	sld [smem:$0x3FFE];
	_ =	sdelay $0x1  }
0x8a: {  	s1 =	srdreg.scid  }
0x8b: {  	s0 =	sand.u32 $0x1, s1  }
0x8c: {  	s17 =	sshll.u32 s0, $0xA;
	s2 =	sadd.s32 s3, s2  }
0x8d: {  	s2 =	sadd.s32 s2, s17  }
0x8e: {  	[smem:$0x3FC6] =	sst s2  }
0x8f: {  	_ = 	snop  }
0x90: {  	s2 =	sld [smem:$0x3FD0];
	(tm) =	ssettm $0x1  }
0x91: {  	s18 =	sld [smem:$0x3FFB];
	_ =	sdelay $0x3  }
0x92: {  	_ =	strace s18  }
0x93: {  	s3 =	sld [smem:$0x3FFC];
	_ =	sdelay $0x3  }
0x94: {  	_ =	strace s3  }
0x95: {  	s3 =	sld [smem:$0x3FFD];
	_ =	sdelay $0x3  }
0x96: {  	_ =	strace s3  }
0x97: {  	_ =	strace $0x8FFFFFFF  }
0x98: {  	s19 =	sld [smem:$0x3FDB];
	_ =	sdelay $0x1  }
0x99: {  	s4 =	simm.s32 $_scs_section_size  }
0x9a: {  	s5 =	simm.s32 $_size__tile_overlayer_lowered;
	s6 =	simm.s32 $_tile_overlayer_lowered  }
0x9b: {  	s22 =	simm.s32 $0x1BFF;
	s21 =	sshll.u32 s6, $0x1;
	s3 =	sadd.s32 s4, s19  }
0x9c: {  	s7 =	simm.s32 $0x0;
	s20 =	sshll.u32 s5, $0x1;
	s5 =	sadd.s32 s21, s3  }
0x9d: {  	[timem:s7], [sflag:s22] =	dma.local [hbm:s5], s20  }
0x9e: {  	_ =	swait.ge [sflag:s22], s20  }
0x9f: {  	s4 =	ssub.s32 $0x0, s20;
	[sflag:s22] =	ssyncset.done $0x0  }
0xa0: {  	[sflag:s22] =	ssyncadd.s32 s4;
	_ =	sdelay $0x1  }
0xa1: {  	s23 =	simm.s32 $0x1B8B  }
0xa2: {  	_ =	swait.ge [sflag:s23], $0x1  }
0xa3: {  	[sflag:s23] =	ssyncset.done $0x0  }
0xa4: {  	s25 =	simm.s32 $0x1B8E;
	s24 =	sld [smem:$0x3FFE];
	[sflag:s23] =	ssyncadd.s32 $0xFFFFFFFF  }
0xa5: {  	s26 =	simm.s32 $execute0_lowered;
	[smem:$0x3FD2] =	sst s25  }
0xa6: {  	s5 =	sshll.u32 s26, $0x1;
	_ =	strace $0x80000046;
	[dreg:$0x1] =	wrdreg $0xFFFFFFFF  }
0xa7: {  	s28 =	simm.s32 $_size_execute0_lowered;
	s3 =	sadd.s32 s3, s5;
	[dreg:$0x0] =	wrdreg $0x0  }
0xa8: {  	s5 =	sshll.u32 s28, $0x1;
	[dreg:$0x2] =	wrdreg s3  }
0xa9: {  	[dreg:$0x3] =	wrdreg s5  }
0xaa: {  	[dreg:$0x4] =	wrdreg $0xC0  }
0xab: {  	_ =	task [dreg:s7], $0x5FFFF  }
0xac: {  	[dreg:$0x1] =	wrdreg $0xFFFFFFFF  }
0xad: {  	[dreg:$0x0] =	wrdreg $0x60  }
0xae: {  	[dreg:$0x2] =	wrdreg s24  }
0xaf: {  	[dreg:$0x3] =	wrdreg s2  }
0xb0: {  	[dreg:$0x4] =	wrdreg $0x9A000  }
0xb1: {  	[dreg:$0x5] =	wrdreg $0x9  }
0xb2: {  	_ =	task.clear_ibuf [dreg:s7], $0x6FFFF;
	_ =	strace $0x90000046  }
0xb3: {  	s29 =	simm.s32 $0x9;
	_ =	strace $0x80000048  }
0xb4: {  	_ =	swait.ge [sflag:s29], $0x1  }
0xb5: {  	[sflag:s29] =	ssyncadd.s32 $0xFFFFFFFF  }
0xb6: {  	_ =	strace $0x90000048  }
0xb7: {  	_ =	sfence  }
0xb8: {  	s30 =	sld [smem:$0x0];
	_ =	sdelay $0x2  }
0xb9: {  	s31 =	sshll.u32 s1, $0xD;
	s1 =	sshrl.u32 s1, $0x2  }
0xba: {  	s3 =	sand.u32 $0x4000, s31;
	s1 =	sadd.s32 s1, s30  }
0xbb: {  	s0 =	sor.u32 s3, s0;
	s1 =	sshll.u32 s1, $0x11  }
0xbc: {  	s0 =	sor.u32 s1, s0  }
0xbd: {  	s0 =	sadd.s32 $0x8F2B, s0  }
0xbe: {  	[sflag:s0] =	ssyncadd.remote.s32 $0x1  }
0xbf: {  	_ =	sfence.sel $0xFFFF  }
0xc0: {  	[dreg:$0x0] =	wrdreg $0xFFFFFFFF;
	(pc) =	sbr.abs _section_cstart, $3  }
0xc1: {  	[dreg:$0x1] =	wrdreg $0xFFFFFFFF  }
0xc2: {  	_ =	task.clear_ibuf [dreg:s7], $0x2FFFF;
	_ =	strace $0x9FFFFFFF  }
0xc3: {  	(tm) =	ssettm $0x7FFFFFFF  }
tec
execute0_lowered:
.L_overlay_start_1:
0x0: {  	(tag) =	ssettag $0x1  }
0x1: {  	s4 =	rddreg [dreg:$0x0]  }
0x2: {  	s7 =	rddreg [dreg:$0x1];
	s1 =	srdreg.scid  }
0x3: {  	s0 =	stileid.u32;
	s2 =	rddreg [dreg:$0x2]  }
0x4: {  	s3 =	simm.s32 $0x0;
	s16 =	simm.s32 $0x80;
	s9 =	smul.u32 $0x4B000, s0  }
0x5: {  	s17 =	simm.s32 $0x1900;
	s18 =	simm.s32 $0x2;
	s11 =	smul.u32 $0x2580, s0  }
0x6: {  	s19 =	simm.s32 $0x5A00;
	s20 =	simm.s32 $0x0;
	s12 =	smul.u32 $0x32000, s0  }
0x7: {  	s8 =	sand.u32 $0x1, s1;
	s1 =	rddreg [dreg:$0x3];
	s31 =	smul.u32 $0x3200, s0  }
0x8: {  	s5 =	sshll.u32 s0, $0x1;
	[smem:$0x7FF] =	sst s3;
	s30 =	smul.u32 $0x19000, s8  }
0x9: {  	s14 =	sshll.u32 s0, $0x6;
	s5 =	sor.u32 s8, s5;
	s15 =	smul.u32 $0x1900, s8  }
0xa: {  	_ =	strace $0x80000047;
	s6 =	ssub.s32 $0x2, s8;
	s5 =	smul.u32 $0x1900, s5  }
0xb: {  	s10 =	sshrl.u32 s6, $0x1;
	s29 =	sshrl.u32 s9, $0x2;
	s12 =	sadd.s32 s12, s7  }
0xc: {  	s7 =	sor.u32 $0x1C05, s14;
	s14 =	simm.s32 $0x4;
	s10 =	ssub.s32 s6, s10  }
.Ltmp0:
0xd: {  	s13 =	sadd.s32 s29, s2;
	s9 =	sadd.s32 s30, s12;
	(pc) =	sbr.rel .LBB2_1-.Ltmp0, $4  }
0xe: {  	s12 =	simm.s32 $0x1;
	s5 =	sshrl.u32 s5, $0x3;
	s8 =	smax.u32 s10, $0x1  }
0xf: {  	s9 =	sadd.s32 $0xFFFFF800, s9;
	s10 =	sadd.s32 s15, s31;
	s5 =	sadd.s32 s5, s4  }
0x10: {  	s15 =	simm.s32 $0x3;
	s4 =	sadd.s32 $0x6E00, s4;
	s5 =	sadd.s32 $0xA00, s5  }
0x11: {  	v0 =	vlaneseq.u32;
	s6 =	sadd.s32 s4, s11;
	s11 =	sshrl.u32 s13, $0x3;
	s13 =	simm.s32 $0x1A00  }
.LBB2_16:
0x12: {  	s20 =	sadd.s32 $0x1, s20  }
0x13: {  	_ =	swait.ge [sflag:s15], $0x4000;
	p0 =	sne.s32 s20, s8  }
.Ltmp1:
0x14: {  	[sflag:s15] =	ssyncset.done $0x0;
	(pc) =	sbr.rel @!p0 .LBB2_17-.Ltmp1, $4  }
0x15: {  	[sflag:s15] =	ssyncadd.s32 $0xFFFFC000  }
0x16: {  	_ =	swait.ge [sflag:s14], $0x4000  }
0x17: {  	[sflag:s14] =	ssyncset.done $0x0  }
0x18: {  	[sflag:s14] =	ssyncadd.s32 $0xFFFFC000  }
.LBB2_1:
0x19: {  	[tilespmem:s3], [sflag:$0x1] =	stream.linear.gather [hbm4b:s5+s3], $0x1900, $0x38;
	[tilespmem:$0x1C600] =	vst v63  }
.Ltmp2:
0x1a: {  	_ = 	snop;
	(pc) =	sbr.rel .LBB2_2-.Ltmp2, $4  }
0x1b: {  	[spmem:s11], [sflag:s7] =	dma.local [hbm:s6], $0x2580  }
0x1c: {  	_ =	swait.ge [sflag:s12], $0x1900  }
0x1d: {  	s21 =	simm.s32 $0x40;
	s22 =	smov.u32 s9;
	[sflag:s12] =	ssyncset.done $0x0  }
0x1e: {  	s23 =	simm.s32 $0x0;
	s24 =	simm.s32 $0x0;
	[sflag:s12] =	ssyncadd.s32 $0xFFFFE700  }
.LBB2_7:
0x1f: {  	[tilespmem:s13], [sflag:$0x1] =	stream.indirect.gather [spmem:s2], $0x80, s17, s16, $0xb8;
	[tilespmem:$0x1C600] =	vst v63  }
.LBB2_9:
0x20: {  	_ =	swait.ge [sflag:s18], $0x4000  }
0x21: {  	[sflag:s18] =	ssyncset.done $0x0  }
0x22: {  	[sflag:s18] =	ssyncadd.s32 $0xFFFFC000  }
0x23: {  	[hbm4b:s22+s3] =	stream.linear.scatter [tilespmem:s19], [sflag:$0x4], $0x4000, $0x38;
	[tilespmem:$0x1C600] =	vst v63  }
.LBB2_15:
0x24: {  	s23 =	sadd.s32 $0x80, s23  }
0x25: {  	p0 =	sne.s32 s23, $0x1980  }
.Ltmp3:
0x26: {  	_ = 	snop;
	(pc) =	sbr.rel @!p0 .LBB2_16-.Ltmp3, $2  }
0x27: {  	_ =	sdelay $0x2  }
0x28: {  	s24 =	sadd.s32 $0x1, s24;
	s22 =	sadd.s32 $0x800, s22;
	s21 =	sadd.s32 $0x80, s21  }
.LBB2_2:
0x29: {  	s25 =	sand.u32 $0x1, s24  }
0x2a: {  	p0 =	seq.s32 s25, $0x1  }
.Ltmp4:
0x2b: {  	_ = 	snop;
	(pc) =	sbr.rel @!p0 .LBB2_3-.Ltmp4, $1  }
0x2c: {  	_ =	sdelay $0x3  }
0x2d: {  	p0 =	seq.s32 s24, $0x1  }
.Ltmp5:
0x2e: {  	_ = 	snop;
	(pc) =	sbr.rel @p0 .LBB2_13-.Ltmp5, $1  }
0x2f: {  	_ =	sdelay $0x3  }
0x30: {  	p0 =	seq.s32 s24, $0x32  }
.Ltmp6:
0x31: {  	_ = 	snop;
	(pc) =	sbr.rel @p0 .LBB2_14-.Ltmp6, $1  }
0x32: {  	_ =	sdelay $0x3  }
0x33: {  	_ =	swait.ge [sflag:s14], $0x4000  }
0x34: {  	[sflag:s14] =	ssyncset.done $0x0  }
0x35: {  	[sflag:s14] =	ssyncadd.s32 $0xFFFFC000  }
.LBB2_13:
0x36: {  	s25 =	sadd.s32 s23, s10  }
0x37: {  	v1 =	vor.u32 s25, v0  }
0x38: {  	v2 =	vmulhi.u32 $0x51EB851F, v1;
	_ =	sdelay $0x1  }
0x39: {  	v2 =	vshrl.u32 v2, $0x6  }
0x3a: {  	v3 =	vld [tilespmem:s21+$0xFFFFFFC0];
	v2 =	vmul.u32 $0xC8, v2;
	_ =	sdelay $0x1  }
0x3b: {  	s26 =	sadd.s32 $0x10, s25;
	v1 =	vsub.s32 v1, v2  }
0x3c: {  	v2 =	vor.u32 s26, v0;
	v1 =	vmul.u32 $0x30, v1  }
0x3d: {  	v4 =	vmulhi.u32 $0x51EB851F, v2  }
0x3e: {  	v1 =	vadd.s32 v1, v3  }
0x3f: {  	[tilespmem:$0x1980] =	vst v1;
	v1 =	vshrl.u32 v4, $0x6  }
0x40: {  	v1 =	vmul.u32 $0xC8, v1;
	v3 =	vld [tilespmem:s21+$0xFFFFFFD0];
	_ =	sdelay $0x1  }
0x41: {  	s31 =	sadd.s32 $0x20, s25;
	v1 =	vsub.s32 v2, v1  }
0x42: {  	v2 =	vor.u32 s31, v0;
	v1 =	vmul.u32 $0x30, v1  }
0x43: {  	v58 =	vmulhi.u32 $0x51EB851F, v2  }
0x44: {  	v1 =	vadd.s32 v1, v3  }
0x45: {  	[tilespmem:$0x1990] =	vst v1;
	v1 =	vshrl.u32 v58, $0x6  }
0x46: {  	v1 =	vmul.u32 $0xC8, v1;
	v3 =	vld [tilespmem:s21+$0xFFFFFFE0];
	_ =	sdelay $0x1  }
0x47: {  	s28 =	sadd.s32 $0x30, s25;
	v1 =	vsub.s32 v2, v1  }
0x48: {  	v2 =	vor.u32 s28, v0;
	v1 =	vmul.u32 $0x30, v1  }
0x49: {  	v59 =	vmulhi.u32 $0x51EB851F, v2  }
0x4a: {  	v1 =	vadd.s32 v1, v3  }
0x4b: {  	[tilespmem:$0x19A0] =	vst v1;
	v1 =	vshrl.u32 v59, $0x6  }
0x4c: {  	v1 =	vmul.u32 $0xC8, v1;
	v3 =	vld [tilespmem:s21+$0xFFFFFFF0];
	_ =	sdelay $0x1  }
0x4d: {  	s29 =	sadd.s32 $0x40, s25;
	v1 =	vsub.s32 v2, v1  }
0x4e: {  	v2 =	vor.u32 s29, v0;
	v1 =	vmul.u32 $0x30, v1  }
0x4f: {  	v60 =	vmulhi.u32 $0x51EB851F, v2  }
0x50: {  	v1 =	vadd.s32 v1, v3  }
0x51: {  	[tilespmem:$0x19B0] =	vst v1;
	v1 =	vshrl.u32 v60, $0x6  }
0x52: {  	v1 =	vmul.u32 $0xC8, v1;
	v3 =	vld [tilespmem:s21+$0x0];
	_ =	sdelay $0x1  }
0x53: {  	s30 =	sadd.s32 $0x50, s25;
	v1 =	vsub.s32 v2, v1  }
0x54: {  	v2 =	vor.u32 s30, v0;
	v1 =	vmul.u32 $0x30, v1  }
0x55: {  	v61 =	vmulhi.u32 $0x51EB851F, v2  }
0x56: {  	v1 =	vadd.s32 v1, v3  }
0x57: {  	[tilespmem:$0x19C0] =	vst v1;
	v1 =	vshrl.u32 v61, $0x6  }
0x58: {  	v1 =	vmul.u32 $0xC8, v1;
	v3 =	vld [tilespmem:s21+$0x10];
	_ =	sdelay $0x1  }
0x59: {  	s31 =	sadd.s32 $0x60, s25;
	v1 =	vsub.s32 v2, v1  }
0x5a: {  	v2 =	vor.u32 s31, v0;
	v1 =	vmul.u32 $0x30, v1  }
0x5b: {  	v62 =	vmulhi.u32 $0x51EB851F, v2  }
0x5c: {  	v1 =	vadd.s32 v1, v3  }
0x5d: {  	[tilespmem:$0x19D0] =	vst v1;
	v1 =	vshrl.u32 v62, $0x6  }
0x5e: {  	v1 =	vmul.u32 $0xC8, v1;
	v3 =	vld [tilespmem:s21+$0x20];
	_ =	sdelay $0x1  }
0x5f: {  	s25 =	sadd.s32 $0x70, s25;
	v1 =	vsub.s32 v2, v1  }
0x60: {  	v2 =	vor.u32 s25, v0;
	v1 =	vmul.u32 $0x30, v1  }
0x61: {  	v63 =	vmulhi.u32 $0x51EB851F, v2  }
0x62: {  	v1 =	vadd.s32 v1, v3  }
0x63: {  	[tilespmem:$0x19E0] =	vst v1;
	v1 =	vshrl.u32 v63, $0x6  }
0x64: {  	v1 =	vmul.u32 $0xC8, v1;
	v3 =	vld [tilespmem:s21+$0x30];
	_ =	sdelay $0x1  }
0x65: {  	v1 =	vsub.s32 v2, v1  }
0x66: {  	v1 =	vmul.u32 $0x30, v1;
	_ =	sdelay $0x1  }
0x67: {  	p0 =	sgt.u32 s24, $0x3;
	v1 =	vadd.s32 v1, v3  }
0x68: {  	s26 =	simm.s32 @p0 $0x1980;
	s28 =	simm.s32 @p0 $0x5A00;
	s25 =	simm.s32 @p0 $0x80;
	[tilespmem:$0x19F0] =	vst v1  }
0x69: {  	[tilespmem:s28], [sflag:$0x2] =	stream.indirect.gather @p0 [spmem:s2], $0x80, s26, s25, $0xb8;
	[tilespmem:$0x1C600] =	vst v63  }
0x6a: {  	s25 =	simm.s32 @!p0 $0x80;
	s26 =	simm.s32 @!p0 $0x1980;
	s28 =	simm.s32 @!p0 $0x5A00  }
0x6b: {  	[tilespmem:s28], [sflag:$0x2] =	stream.indirect.gather @!p0 [hbm4b:s4+s25], $0x80, s26, s25, $0xb8;
	[tilespmem:$0x1C600] =	vst v63  }
.LBB2_14:
.Ltmp7:
0x6c: {  	(pc) =	sbr.rel .LBB2_15-.Ltmp7, $4  }
0x6d: {  	_ =	swait.ge [sflag:s12], $0x4000  }
0x6e: {  	[sflag:s12] =	ssyncset.done $0x0  }
0x6f: {  	[sflag:s12] =	ssyncadd.s32 $0xFFFFC000  }
0x70: {  	[hbm4b:s22+s3] =	stream.linear.scatter [tilespmem:s13], [sflag:$0x3], $0x4000, $0x38;
	[tilespmem:$0x1C600] =	vst v63  }
.LBB2_3:
0x71: {  	p0 =	slt.u32 s24, $0x2  }
.Ltmp8:
0x72: {  	_ = 	snop;
	(pc) =	sbr.rel @p0 .LBB2_6-.Ltmp8, $1  }
0x73: {  	_ =	sdelay $0x3  }
0x74: {  	p0 =	seq.s32 s24, $0x32  }
.Ltmp9:
0x75: {  	_ = 	snop;
	(pc) =	sbr.rel @p0 .LBB2_9-.Ltmp9, $1  }
0x76: {  	_ =	sdelay $0x3  }
0x77: {  	_ =	swait.ge [sflag:s15], $0x4000  }
0x78: {  	p0 =	sne.s32 s23, $0x200;
	[sflag:s15] =	ssyncset.done $0x0  }
0x79: {  	s25 =	simm.s32 @!p0 $0x5;
	[sflag:s15] =	ssyncadd.s32 $0xFFFFC000  }
0x7a: {  	_ =	swait.ge @!p0 [sflag:s25], $0x2580  }
0x7b: {  	[sflag:s25] =	ssyncset.done @!p0 $0x0  }
0x7c: {  	[sflag:s25] =	ssyncadd.s32 @!p0 $0xFFFFDA80  }
0x7d: {  	[bflag:$0x0] =	sbarrier.arrive @!p0 $0xFFFF  }
.LBB2_6:
0x7e: {  	s25 =	sadd.s32 s23, s10  }
0x7f: {  	v1 =	vor.u32 s25, v0  }
0x80: {  	v2 =	vmulhi.u32 $0x51EB851F, v1;
	_ =	sdelay $0x1  }
0x81: {  	v2 =	vshrl.u32 v2, $0x6  }
0x82: {  	v3 =	vld [tilespmem:s21+$0xFFFFFFC0];
	v2 =	vmul.u32 $0xC8, v2;
	_ =	sdelay $0x1  }
0x83: {  	s26 =	sadd.s32 $0x10, s25;
	v1 =	vsub.s32 v1, v2  }
0x84: {  	v2 =	vor.u32 s26, v0;
	v1 =	vmul.u32 $0x30, v1  }
0x85: {  	v4 =	vmulhi.u32 $0x51EB851F, v2  }
0x86: {  	v1 =	vadd.s32 v1, v3  }
0x87: {  	[tilespmem:$0x1900] =	vst v1;
	v1 =	vshrl.u32 v4, $0x6  }
0x88: {  	v1 =	vmul.u32 $0xC8, v1;
	v3 =	vld [tilespmem:s21+$0xFFFFFFD0];
	_ =	sdelay $0x1  }
0x89: {  	s31 =	sadd.s32 $0x20, s25;
	v1 =	vsub.s32 v2, v1  }
0x8a: {  	v2 =	vor.u32 s31, v0;
	v1 =	vmul.u32 $0x30, v1  }
0x8b: {  	v58 =	vmulhi.u32 $0x51EB851F, v2  }
0x8c: {  	v1 =	vadd.s32 v1, v3  }
0x8d: {  	[tilespmem:$0x1910] =	vst v1;
	v1 =	vshrl.u32 v58, $0x6  }
0x8e: {  	v1 =	vmul.u32 $0xC8, v1;
	v3 =	vld [tilespmem:s21+$0xFFFFFFE0];
	_ =	sdelay $0x1  }
0x8f: {  	s28 =	sadd.s32 $0x30, s25;
	v1 =	vsub.s32 v2, v1  }
0x90: {  	v2 =	vor.u32 s28, v0;
	v1 =	vmul.u32 $0x30, v1  }
0x91: {  	v59 =	vmulhi.u32 $0x51EB851F, v2  }
0x92: {  	v1 =	vadd.s32 v1, v3  }
0x93: {  	[tilespmem:$0x1920] =	vst v1;
	v1 =	vshrl.u32 v59, $0x6  }
0x94: {  	v1 =	vmul.u32 $0xC8, v1;
	v3 =	vld [tilespmem:s21+$0xFFFFFFF0];
	_ =	sdelay $0x1  }
0x95: {  	s29 =	sadd.s32 $0x40, s25;
	v1 =	vsub.s32 v2, v1  }
0x96: {  	v2 =	vor.u32 s29, v0;
	v1 =	vmul.u32 $0x30, v1  }
0x97: {  	v60 =	vmulhi.u32 $0x51EB851F, v2  }
0x98: {  	v1 =	vadd.s32 v1, v3  }
0x99: {  	[tilespmem:$0x1930] =	vst v1;
	v1 =	vshrl.u32 v60, $0x6  }
0x9a: {  	v1 =	vmul.u32 $0xC8, v1;
	v3 =	vld [tilespmem:s21+$0x0];
	_ =	sdelay $0x1  }
0x9b: {  	s30 =	sadd.s32 $0x50, s25;
	v1 =	vsub.s32 v2, v1  }
0x9c: {  	v2 =	vor.u32 s30, v0;
	v1 =	vmul.u32 $0x30, v1  }
0x9d: {  	v61 =	vmulhi.u32 $0x51EB851F, v2  }
0x9e: {  	v1 =	vadd.s32 v1, v3  }
0x9f: {  	[tilespmem:$0x1940] =	vst v1;
	v1 =	vshrl.u32 v61, $0x6  }
0xa0: {  	v1 =	vmul.u32 $0xC8, v1;
	v3 =	vld [tilespmem:s21+$0x10];
	_ =	sdelay $0x1  }
0xa1: {  	s31 =	sadd.s32 $0x60, s25;
	v1 =	vsub.s32 v2, v1  }
0xa2: {  	v2 =	vor.u32 s31, v0;
	v1 =	vmul.u32 $0x30, v1  }
0xa3: {  	v62 =	vmulhi.u32 $0x51EB851F, v2  }
0xa4: {  	v1 =	vadd.s32 v1, v3  }
0xa5: {  	[tilespmem:$0x1950] =	vst v1;
	v1 =	vshrl.u32 v62, $0x6  }
0xa6: {  	v1 =	vmul.u32 $0xC8, v1;
	v3 =	vld [tilespmem:s21+$0x20];
	_ =	sdelay $0x1  }
0xa7: {  	s25 =	sadd.s32 $0x70, s25;
	v1 =	vsub.s32 v2, v1  }
0xa8: {  	v2 =	vor.u32 s25, v0;
	v1 =	vmul.u32 $0x30, v1  }
0xa9: {  	v63 =	vmulhi.u32 $0x51EB851F, v2  }
0xaa: {  	v1 =	vadd.s32 v1, v3  }
0xab: {  	[tilespmem:$0x1960] =	vst v1;
	v1 =	vshrl.u32 v63, $0x6  }
0xac: {  	v1 =	vmul.u32 $0xC8, v1;
	v3 =	vld [tilespmem:s21+$0x30]  }
0xad: {  	p0 =	slt.u32 s24, $0x4  }
.Ltmp10:
0xae: {  	v1 =	vsub.s32 v2, v1;
	(pc) =	sbr.rel @!p0 .LBB2_7-.Ltmp10, $3  }
0xaf: {  	v1 =	vmul.u32 $0x30, v1;
	_ =	sdelay $0x1  }
0xb0: {  	v1 =	vadd.s32 v1, v3  }
0xb1: {  	[tilespmem:$0x1970] =	vst v1  }
0xb2: {  	p0 =	seq.s32 s23, $0x0  }
.Ltmp11:
0xb3: {  	_ = 	snop;
	(pc) =	sbr.rel @!p0 .LBB2_9-.Ltmp11, $4  }
.Ltmp12:
0xb4: {  	_ = 	snop;
	(pc) =	sbr.rel @p0 .LBB2_15-.Ltmp12, $4  }
0xb5: {  	_ = 	snop  }
0xb6: {  	_ = 	snop  }
0xb7: {  	[tilespmem:s13], [sflag:$0x1] =	stream.indirect.gather [hbm4b:s4+s16], $0x80, s17, s16, $0xb8;
	[tilespmem:$0x1C600] =	vst v63  }
0xb8: {  	_ = 	snop  }
.LBB2_17:
0xb9: {  	_ =	sfence.sel $0x180000  }
0xba: {  	[bflag:$0x0] =	sbarrier.arrive $0xFFFF  }
0xbb: {  	p0 =	sne.s32 s0, $0x0;
	_ =	strace $0x90000047  }
0xbc: {  	s0 =	sadd.s32 @!p0 $0x100000, s1;
	[bflag:$0x2] =	sbarrier.arrive $0xFFFF  }
0xbd: {  	[sflag:s0] =	ssyncadd.tile.s32 @!p0 $0x1;
	_ =	shalt  }
.Lfunc_end2:
_tile_overlayer_lowered:
.L_overlay_start_2:
0xbe: {  	(tag) =	ssettag $0x2  }
0xbf: {  	s0 =	rddreg [dreg:$0x0];
	s2 =	stileid.u32  }
0xc0: {  	s1 =	rddreg [dreg:$0x1];
	p0 =	sne.s32 s2, $0x0  }
0xc1: {  	s3 =	rddreg [dreg:$0x2];
	[bflag:$0x3] =	sbarrier.arrive $0xFFFF;
	s2 =	simm.s32 @!p0 $0x1C06  }
0xc2: {  	[timem:s3], [sflag:s2] =	dma.local @!p0 [hbm:s0], s1  }
0xc3: {  	s0 =	simm.s32 @!p0 $0x6  }
0xc4: {  	_ =	swait.ge @!p0 [sflag:s0], s1  }
0xc5: {  	s1 =	ssub.s32 @!p0 $0x0, s1;
	[sflag:s0] =	ssyncset.done @!p0 $0x0  }
0xc6: {  	[sflag:s0] =	ssyncadd.s32 @!p0 s1  }
0xc7: {  	[bflag:$0x3] =	sbarrier.arrive $0xFFFF  }
0xc8: {  	_ =	shalt  }

</sc_bundles>
